<compile_context>
chip_gen: v7x
topology: tpu7x:2x2x1
jax: 0.10.2.dev20260603
libtpu: 0.0.44.dev20260713+nightly
codegen_flags: <defaults>
</compile_context>

<pallas_src>
import functools

import jax
import jax.numpy as jnp
from jax import lax
from jax.experimental import pallas as pl
from jax.experimental.pallas import tpu as pltpu
from jax.experimental.pallas import tpu_sc as plsc

B = 16384
F = 26
C = 100
OUT_D = F * C
NW = 32
COLS_PER_W = B // NW
FPAIRS = F // 2
RROWS = 2 * C
CBLK = 256
NCL = COLS_PER_W // CBLK
GRP = CBLK // 16
L = 16

_mesh = plsc.VectorSubcoreMesh(core_axis_name="c", subcore_axis_name="s")


@functools.partial(
    pl.kernel,
    out_type=jax.ShapeDtypeStruct((OUT_D, B), jnp.float32),
    mesh=_mesh,
    scratch_types=[
        pltpu.VMEM((F, COLS_PER_W), jnp.int32),
        pltpu.VMEM((RROWS, CBLK), jnp.float32),
        pltpu.VMEM((RROWS, CBLK), jnp.float32),
        pltpu.SemaphoreType.DMA,
        pltpu.SemaphoreType.DMA,
    ],
    compiler_params=pltpu.CompilerParams(needs_layout_passes=False),
)
def _one_hot_sc(cat_hbm, zeros_hbm, out_hbm, cat_v, buf0, buf1, sem0, sem1):
    cid = lax.axis_index("c")
    sid = lax.axis_index("s")
    wid = cid * (NW // 2) + sid
    cbase = wid * COLS_PER_W
    bufs = (buf0, buf1)
    sems = (sem0, sem1)

    cat_cp = pltpu.make_async_copy(
        cat_hbm.at[:, pl.ds(cbase, COLS_PER_W)], cat_v, sem0
    )
    cat_cp.start()
    z0_cp = pltpu.make_async_copy(zeros_hbm, buf0, sem1)
    z0_cp.start()
    z1_cp = pltpu.make_async_copy(zeros_hbm.at[:], buf1, sem1)
    z1_cp.start()
    cat_cp.wait()
    z0_cp.wait()
    z1_cp.wait()

    ones = jnp.ones((L,), jnp.float32)
    zeros = jnp.zeros((L,), jnp.float32)
    iota = lax.iota(jnp.int32, L)

    def scatter_pass(fp, cl, buf, vals):
        for fl in range(2):
            @pl.loop(0, GRP)
            def g_loop(g):
                v = cat_v[fp * 2 + fl, pl.ds(cl * CBLK + g * L, L)]
                v = jnp.minimum(jnp.maximum(v, 0), C - 1)
                plsc.store_scatter(buf, [fl * C + v, iota + g * L], vals)

    def out_slice(fp, cl):
        return out_hbm.at[
            pl.ds(fp * RROWS, RROWS), pl.ds(cbase + cl * CBLK, CBLK)
        ]

    @pl.loop(0, FPAIRS)
    def fp_loop(fp):
        for cl in range(NCL):
            @pl.when(fp > 0)
            def _clear():
                pltpu.make_async_copy(
                    bufs[cl], out_slice(fp - 1, cl), sems[cl]
                ).wait()
                scatter_pass(fp - 1, cl, bufs[cl], zeros)

            scatter_pass(fp, cl, bufs[cl], ones)
            pltpu.make_async_copy(bufs[cl], out_slice(fp, cl), sems[cl]).start()

    for cl in range(NCL):
        pltpu.make_async_copy(bufs[cl], out_slice(0, cl), sems[cl]).wait()


@jax.jit
def _run(cat_tensor):
    cat_t = cat_tensor.T.astype(jnp.int32)
    zeros = jnp.zeros((RROWS, CBLK), jnp.float32)
    return _one_hot_sc(cat_t, zeros).T


def kernel(cat_tensor):
    if cat_tensor.ndim == 1:
        cat_tensor = cat_tensor[None, :]
    return _run(cat_tensor)

# --- scband reference (transcript-rebuilt; emitter-appended) ---
"""Pipeline reference for scband-one-hot-embedding-layer-82695300317610 (READ-ONLY COPY).

The authoritative reference and input builder live on the scoring server;
editing this copy changes nothing except your own understanding.
"""

import jax, jax.numpy as jnp
import numpy as np

# Mirrors OneHotEmbeddingLayer(cat_code_dict, cat_cols) with 26 fields, cardinality 100 each.
CAT_CARDINALITIES = [100] * 26


def setup_inputs(seed: int = 0) -> dict:
    key = jax.random.key(seed)
    cat_tensor = jax.random.randint(key, (16384, 26), 0, 100, dtype=jnp.int32)
    return {"cat_tensor": cat_tensor}


def reference(cat_tensor):
    # forward of OneHotEmbeddingLayer
    if cat_tensor.ndim == 1:
        cat_tensor = cat_tensor[None, :]
    encoded_groups = []
    for idx, cardinality in enumerate(CAT_CARDINALITIES):
        if cardinality == 0:
            continue
        indices = jnp.clip(cat_tensor[:, idx].astype(jnp.int32), 0, cardinality - 1)
        one_hot = jax.nn.one_hot(indices, cardinality, dtype=jnp.float32)
        encoded_groups.append(one_hot)
    if encoded_groups:
        return jnp.concatenate(encoded_groups, axis=1)
    return jnp.zeros((cat_tensor.shape[0], 0), dtype=jnp.float32)

if __name__ == "__main__":
    import jax
    _d = setup_inputs()
    print(jax.jit(kernel)(*tuple(_d.values())))

</pallas_src>

<mosaic_0001>
#map = affine_map<(d0, d1) -> (0, 0)>
module attributes {stable_mosaic.version = 14 : i64} {
  func.func @_one_hot_sc(%arg0: i32, %arg1: i32, %arg2: memref<26x16384xi32, #tpu.memory_space<hbm>>, %arg3: memref<200x256xf32, #tpu.memory_space<hbm>>, %arg4: memref<2600x16384xf32, #tpu.memory_space<hbm>>, %arg5: memref<26x512xi32, #tpu.memory_space<vmem>>, %arg6: memref<200x256xf32, #tpu.memory_space<vmem>>, %arg7: memref<200x256xf32, #tpu.memory_space<vmem>>, %arg8: memref<!tpu.dma_semaphore, #tpu.memory_space<semaphore_mem>>, %arg9: memref<!tpu.dma_semaphore, #tpu.memory_space<semaphore_mem>>) attributes {dimension_semantics = [#tpu.dimension_semantics<core_parallel>, #tpu.dimension_semantics<subcore_parallel>], iteration_bounds = array<i64: 2, 16>, scalar_prefetch = 0 : i64, scratch_operands = 5 : i64, tpu.core_type = #tpu.core_type<sc_vector_subcore>, window_params = [{transform_indices = #map}, {transform_indices = #map}, {transform_indices = #map}]} {
    %mul3A = arith.constant 16 : i32
    %mul3A_0 = arith.muli %arg0, %mul3A : i32
    %add3A = arith.addi %mul3A_0, %arg1 : i32
    %mul3A_1 = arith.constant 512 : i32
    %mul3A_2 = arith.muli %add3A, %mul3A_1 : i32
    %dma_start3A = arith.constant 0 : i32
    %dma_start3A_3 = tpu.memref_slice %arg2[%dma_start3A, %mul3A_2] : memref<26x16384xi32, #tpu.memory_space<hbm>> -> memref<26x512xi32, #tpu.memory_space<hbm>>
    %dma_start3A_4 = arith.constant 0 : i32
    %dma_start3A_5 = tpu.memref_slice %arg2[%dma_start3A_4, %mul3A_2] : memref<26x16384xi32, #tpu.memory_space<hbm>> -> memref<26x512xi32, #tpu.memory_space<hbm>>
    tpu.enqueue_dma source(%dma_start3A_5 : memref<26x512xi32, #tpu.memory_space<hbm>>) target(%arg5 : memref<26x512xi32, #tpu.memory_space<vmem>>) target_semaphore(%arg8 : memref<!tpu.dma_semaphore, #tpu.memory_space<semaphore_mem>>)
    tpu.enqueue_dma source(%arg3 : memref<200x256xf32, #tpu.memory_space<hbm>>) target(%arg6 : memref<200x256xf32, #tpu.memory_space<vmem>>) target_semaphore(%arg9 : memref<!tpu.dma_semaphore, #tpu.memory_space<semaphore_mem>>)
    %dma_start3A_6 = arith.constant 0 : i32
    %dma_start3A_7 = arith.constant 0 : i32
    %dma_start3A_8 = tpu.memref_slice %arg3[%dma_start3A_6, %dma_start3A_7] : memref<200x256xf32, #tpu.memory_space<hbm>> -> memref<200x256xf32, #tpu.memory_space<hbm>>
    %dma_start3A_9 = arith.constant 0 : i32
    %dma_start3A_10 = arith.constant 0 : i32
    %dma_start3A_11 = tpu.memref_slice %arg3[%dma_start3A_9, %dma_start3A_10] : memref<200x256xf32, #tpu.memory_space<hbm>> -> memref<200x256xf32, #tpu.memory_space<hbm>>
    tpu.enqueue_dma source(%dma_start3A_11 : memref<200x256xf32, #tpu.memory_space<hbm>>) target(%arg7 : memref<200x256xf32, #tpu.memory_space<vmem>>) target_semaphore(%arg9 : memref<!tpu.dma_semaphore, #tpu.memory_space<semaphore_mem>>)
    %dma_wait3A = arith.constant 0 : i32
    %dma_wait3A_12 = tpu.memref_slice %arg2[%dma_wait3A, %mul3A_2] : memref<26x16384xi32, #tpu.memory_space<hbm>> -> memref<26x512xi32, #tpu.memory_space<hbm>>
    %dma_wait3A_13 = arith.constant 0 : i32
    %dma_wait3A_14 = tpu.memref_slice %arg2[%dma_wait3A_13, %mul3A_2] : memref<26x16384xi32, #tpu.memory_space<hbm>> -> memref<26x512xi32, #tpu.memory_space<hbm>>
    tpu.wait_dma2 semaphore(%arg8 : memref<!tpu.dma_semaphore, #tpu.memory_space<semaphore_mem>>) src(%dma_wait3A_14 : memref<26x512xi32, #tpu.memory_space<hbm>>) dst(%arg5 : memref<26x512xi32, #tpu.memory_space<vmem>>)
    tpu.wait_dma2 semaphore(%arg9 : memref<!tpu.dma_semaphore, #tpu.memory_space<semaphore_mem>>) src(%arg3 : memref<200x256xf32, #tpu.memory_space<hbm>>) dst(%arg6 : memref<200x256xf32, #tpu.memory_space<vmem>>)
    %dma_wait3A_15 = arith.constant 0 : i32
    %dma_wait3A_16 = arith.constant 0 : i32
    %dma_wait3A_17 = tpu.memref_slice %arg3[%dma_wait3A_15, %dma_wait3A_16] : memref<200x256xf32, #tpu.memory_space<hbm>> -> memref<200x256xf32, #tpu.memory_space<hbm>>
    %dma_wait3A_18 = arith.constant 0 : i32
    %dma_wait3A_19 = arith.constant 0 : i32
    %dma_wait3A_20 = tpu.memref_slice %arg3[%dma_wait3A_18, %dma_wait3A_19] : memref<200x256xf32, #tpu.memory_space<hbm>> -> memref<200x256xf32, #tpu.memory_space<hbm>>
    tpu.wait_dma2 semaphore(%arg9 : memref<!tpu.dma_semaphore, #tpu.memory_space<semaphore_mem>>) src(%dma_wait3A_20 : memref<200x256xf32, #tpu.memory_space<hbm>>) dst(%arg7 : memref<200x256xf32, #tpu.memory_space<vmem>>)
    %broadcast_in_dim3A = arith.constant 1.000000e+00 : f32
    %broadcast_in_dim3A_21 = vector.broadcast %broadcast_in_dim3A : f32 to vector<16xf32>
    %broadcast_in_dim3A_22 = arith.constant 0.000000e+00 : f32
    %broadcast_in_dim3A_23 = vector.broadcast %broadcast_in_dim3A_22 : f32 to vector<16xf32>
    %iota3A = tpu.iota {dimensions = array<i32: 0>} : vector<16xi32>
    %scan3A = arith.constant 0 : i32
    %scan3A_24 = arith.constant 13 : i32
    %scan3A_25 = arith.addi %scan3A, %scan3A_24 : i32
    %scan3A_26 = arith.constant 1 : i32
    scf.for %scan3A_40 = %scan3A to %scan3A_25 step %scan3A_26  : i32 {
      %mul3A_41 = arith.constant 1 : i32
      %mul3A_42 = arith.muli %scan3A_40, %mul3A_41 : i32
      %add3A_43 = arith.constant 0 : i32
      %add3A_44 = arith.addi %add3A_43, %mul3A_42 : i32
      %gt3A = arith.constant 0 : i32
      %gt3A_45 = arith.cmpi sgt, %add3A_44, %gt3A : i32
      %convert_element_type3A = arith.extui %gt3A_45 : i1 to i32
      %cond3A = arith.constant 0 : i32
      %cond3A_46 = arith.cmpi ne, %convert_element_type3A, %cond3A : i32
      scf.if %cond3A_46 {
        %sub3A = arith.constant 1 : i32
        %sub3A_84 = arith.subi %add3A_44, %sub3A : i32
        %mul3A_85 = arith.constant 200 : i32
        %mul3A_86 = arith.muli %sub3A_84, %mul3A_85 : i32
        %add3A_87 = arith.constant 0 : i32
        %add3A_88 = arith.addi %mul3A_2, %add3A_87 : i32
        %dma_wait3A_89 = tpu.memref_slice %arg4[%mul3A_86, %add3A_88] : memref<2600x16384xf32, #tpu.memory_space<hbm>> -> memref<200x256xf32, #tpu.memory_space<hbm>>
        %dma_wait3A_90 = tpu.memref_slice %arg4[%mul3A_86, %add3A_88] : memref<2600x16384xf32, #tpu.memory_space<hbm>> -> memref<200x256xf32, #tpu.memory_space<hbm>>
        tpu.wait_dma2 semaphore(%arg8 : memref<!tpu.dma_semaphore, #tpu.memory_space<semaphore_mem>>) src(%arg6 : memref<200x256xf32, #tpu.memory_space<vmem>>) dst(%dma_wait3A_90 : memref<200x256xf32, #tpu.memory_space<hbm>>)
        %sub3A_91 = arith.constant 1 : i32
        %sub3A_92 = arith.subi %add3A_44, %sub3A_91 : i32
        %scan3A_93 = arith.constant 0 : i32
        %scan3A_94 = arith.constant 16 : i32
        %scan3A_95 = arith.addi %scan3A_93, %scan3A_94 : i32
        %scan3A_96 = arith.constant 1 : i32
        scf.for %scan3A_103 = %scan3A_93 to %scan3A_95 step %scan3A_96  : i32 {
          %mul3A_104 = arith.constant 1 : i32
          %mul3A_105 = arith.muli %scan3A_103, %mul3A_104 : i32
          %add3A_106 = arith.constant 0 : i32
          %add3A_107 = arith.addi %add3A_106, %mul3A_105 : i32
          %mul3A_108 = arith.constant 2 : i32
          %mul3A_109 = arith.muli %sub3A_92, %mul3A_108 : i32
          %add3A_110 = arith.constant 0 : i32
          %add3A_111 = arith.addi %mul3A_109, %add3A_110 : i32
          %mul3A_112 = arith.constant 16 : i32
          %mul3A_113 = arith.muli %add3A_107, %mul3A_112 : i32
          %add3A_114 = arith.constant 0 : i32
          %add3A_115 = arith.addi %add3A_114, %mul3A_113 : i32
          %get3A = arith.index_cast %add3A_111 : i32 to index
          %get3A_116 = arith.index_cast %add3A_115 : i32 to index
          %get3A_117 = tpu.vector_load %arg5[%get3A, %get3A_116] {strides = array<i32>} : memref<26x512xi32, #tpu.memory_space<vmem>>, vector<16xi32>,
          %max3A = arith.constant 0 : i32
          %max3A_118 = vector.broadcast %max3A : i32 to vector<16xi32>
          %max3A_119 = arith.maxsi %get3A_117, %max3A_118 : vector<16xi32>
          %min3A = arith.constant 99 : i32
          %min3A_120 = vector.broadcast %min3A : i32 to vector<16xi32>
          %min3A_121 = arith.minsi %max3A_119, %min3A_120 : vector<16xi32>
          %add3A_122 = arith.constant 0 : i32
          %add3A_123 = vector.broadcast %add3A_122 : i32 to vector<16xi32>
          %add3A_124 = arith.addi %add3A_123, %min3A_121 : vector<16xi32>
          %mul3A_125 = arith.constant 16 : i32
          %mul3A_126 = arith.muli %add3A_107, %mul3A_125 : i32
          %add3A_127 = vector.broadcast %mul3A_126 : i32 to vector<16xi32>
          %add3A_128 = arith.addi %iota3A, %add3A_127 : vector<16xi32>
          tpu.vector_store_idx %arg6[%add3A_124, %add3A_128], %broadcast_in_dim3A_23 : memref<200x256xf32, #tpu.memory_space<vmem>>[vector<16xi32>, vector<16xi32>], vector<16xf32>,
        }
        %scan3A_97 = arith.constant 16 : i32
        %scan3A_98 = arith.constant 0 : i32
        %scan3A_99 = arith.constant 16 : i32
        %scan3A_100 = arith.addi %scan3A_98, %scan3A_99 : i32
        %scan3A_101 = arith.constant 1 : i32
        scf.for %scan3A_103 = %scan3A_98 to %scan3A_100 step %scan3A_101  : i32 {
          %mul3A_104 = arith.constant 1 : i32
          %mul3A_105 = arith.muli %scan3A_103, %mul3A_104 : i32
          %add3A_106 = arith.constant 0 : i32
          %add3A_107 = arith.addi %add3A_106, %mul3A_105 : i32
          %mul3A_108 = arith.constant 2 : i32
          %mul3A_109 = arith.muli %sub3A_92, %mul3A_108 : i32
          %add3A_110 = arith.constant 1 : i32
          %add3A_111 = arith.addi %mul3A_109, %add3A_110 : i32
          %mul3A_112 = arith.constant 16 : i32
          %mul3A_113 = arith.muli %add3A_107, %mul3A_112 : i32
          %add3A_114 = arith.constant 0 : i32
          %add3A_115 = arith.addi %add3A_114, %mul3A_113 : i32
          %get3A = arith.index_cast %add3A_111 : i32 to index
          %get3A_116 = arith.index_cast %add3A_115 : i32 to index
          %get3A_117 = tpu.vector_load %arg5[%get3A, %get3A_116] {strides = array<i32>} : memref<26x512xi32, #tpu.memory_space<vmem>>, vector<16xi32>,
          %max3A = arith.constant 0 : i32
          %max3A_118 = vector.broadcast %max3A : i32 to vector<16xi32>
          %max3A_119 = arith.maxsi %get3A_117, %max3A_118 : vector<16xi32>
          %min3A = arith.constant 99 : i32
          %min3A_120 = vector.broadcast %min3A : i32 to vector<16xi32>
          %min3A_121 = arith.minsi %max3A_119, %min3A_120 : vector<16xi32>
          %add3A_122 = arith.constant 100 : i32
          %add3A_123 = vector.broadcast %add3A_122 : i32 to vector<16xi32>
          %add3A_124 = arith.addi %add3A_123, %min3A_121 : vector<16xi32>
          %mul3A_125 = arith.constant 16 : i32
          %mul3A_126 = arith.muli %add3A_107, %mul3A_125 : i32
          %add3A_127 = vector.broadcast %mul3A_126 : i32 to vector<16xi32>
          %add3A_128 = arith.addi %iota3A, %add3A_127 : vector<16xi32>
          tpu.vector_store_idx %arg6[%add3A_124, %add3A_128], %broadcast_in_dim3A_23 : memref<200x256xf32, #tpu.memory_space<vmem>>[vector<16xi32>, vector<16xi32>], vector<16xf32>,
        }
        %scan3A_102 = arith.constant 16 : i32
      } else {
      }
      %scan3A_47 = arith.constant 0 : i32
      %scan3A_48 = arith.constant 16 : i32
      %scan3A_49 = arith.addi %scan3A_47, %scan3A_48 : i32
      %scan3A_50 = arith.constant 1 : i32
      scf.for %scan3A_84 = %scan3A_47 to %scan3A_49 step %scan3A_50  : i32 {
        %mul3A_85 = arith.constant 1 : i32
        %mul3A_86 = arith.muli %scan3A_84, %mul3A_85 : i32
        %add3A_87 = arith.constant 0 : i32
        %add3A_88 = arith.addi %add3A_87, %mul3A_86 : i32
        %mul3A_89 = arith.constant 2 : i32
        %mul3A_90 = arith.muli %add3A_44, %mul3A_89 : i32
        %add3A_91 = arith.constant 0 : i32
        %add3A_92 = arith.addi %mul3A_90, %add3A_91 : i32
        %mul3A_93 = arith.constant 16 : i32
        %mul3A_94 = arith.muli %add3A_88, %mul3A_93 : i32
        %add3A_95 = arith.constant 0 : i32
        %add3A_96 = arith.addi %add3A_95, %mul3A_94 : i32
        %get3A = arith.index_cast %add3A_92 : i32 to index
        %get3A_97 = arith.index_cast %add3A_96 : i32 to index
        %get3A_98 = tpu.vector_load %arg5[%get3A, %get3A_97] {strides = array<i32>} : memref<26x512xi32, #tpu.memory_space<vmem>>, vector<16xi32>,
        %max3A = arith.constant 0 : i32
        %max3A_99 = vector.broadcast %max3A : i32 to vector<16xi32>
        %max3A_100 = arith.maxsi %get3A_98, %max3A_99 : vector<16xi32>
        %min3A = arith.constant 99 : i32
        %min3A_101 = vector.broadcast %min3A : i32 to vector<16xi32>
        %min3A_102 = arith.minsi %max3A_100, %min3A_101 : vector<16xi32>
        %add3A_103 = arith.constant 0 : i32
        %add3A_104 = vector.broadcast %add3A_103 : i32 to vector<16xi32>
        %add3A_105 = arith.addi %add3A_104, %min3A_102 : vector<16xi32>
        %mul3A_106 = arith.constant 16 : i32
        %mul3A_107 = arith.muli %add3A_88, %mul3A_106 : i32
        %add3A_108 = vector.broadcast %mul3A_107 : i32 to vector<16xi32>
        %add3A_109 = arith.addi %iota3A, %add3A_108 : vector<16xi32>
        tpu.vector_store_idx %arg6[%add3A_105, %add3A_109], %broadcast_in_dim3A_21 : memref<200x256xf32, #tpu.memory_space<vmem>>[vector<16xi32>, vector<16xi32>], vector<16xf32>,
      }
      %scan3A_51 = arith.constant 16 : i32
      %scan3A_52 = arith.constant 0 : i32
      %scan3A_53 = arith.constant 16 : i32
      %scan3A_54 = arith.addi %scan3A_52, %scan3A_53 : i32
      %scan3A_55 = arith.constant 1 : i32
      scf.for %scan3A_84 = %scan3A_52 to %scan3A_54 step %scan3A_55  : i32 {
        %mul3A_85 = arith.constant 1 : i32
        %mul3A_86 = arith.muli %scan3A_84, %mul3A_85 : i32
        %add3A_87 = arith.constant 0 : i32
        %add3A_88 = arith.addi %add3A_87, %mul3A_86 : i32
        %mul3A_89 = arith.constant 2 : i32
        %mul3A_90 = arith.muli %add3A_44, %mul3A_89 : i32
        %add3A_91 = arith.constant 1 : i32
        %add3A_92 = arith.addi %mul3A_90, %add3A_91 : i32
        %mul3A_93 = arith.constant 16 : i32
        %mul3A_94 = arith.muli %add3A_88, %mul3A_93 : i32
        %add3A_95 = arith.constant 0 : i32
        %add3A_96 = arith.addi %add3A_95, %mul3A_94 : i32
        %get3A = arith.index_cast %add3A_92 : i32 to index
        %get3A_97 = arith.index_cast %add3A_96 : i32 to index
        %get3A_98 = tpu.vector_load %arg5[%get3A, %get3A_97] {strides = array<i32>} : memref<26x512xi32, #tpu.memory_space<vmem>>, vector<16xi32>,
        %max3A = arith.constant 0 : i32
        %max3A_99 = vector.broadcast %max3A : i32 to vector<16xi32>
        %max3A_100 = arith.maxsi %get3A_98, %max3A_99 : vector<16xi32>
        %min3A = arith.constant 99 : i32
        %min3A_101 = vector.broadcast %min3A : i32 to vector<16xi32>
        %min3A_102 = arith.minsi %max3A_100, %min3A_101 : vector<16xi32>
        %add3A_103 = arith.constant 100 : i32
        %add3A_104 = vector.broadcast %add3A_103 : i32 to vector<16xi32>
        %add3A_105 = arith.addi %add3A_104, %min3A_102 : vector<16xi32>
        %mul3A_106 = arith.constant 16 : i32
        %mul3A_107 = arith.muli %add3A_88, %mul3A_106 : i32
        %add3A_108 = vector.broadcast %mul3A_107 : i32 to vector<16xi32>
        %add3A_109 = arith.addi %iota3A, %add3A_108 : vector<16xi32>
        tpu.vector_store_idx %arg6[%add3A_105, %add3A_109], %broadcast_in_dim3A_21 : memref<200x256xf32, #tpu.memory_space<vmem>>[vector<16xi32>, vector<16xi32>], vector<16xf32>,
      }
      %scan3A_56 = arith.constant 16 : i32
      %mul3A_57 = arith.constant 200 : i32
      %mul3A_58 = arith.muli %add3A_44, %mul3A_57 : i32
      %add3A_59 = arith.constant 0 : i32
      %add3A_60 = arith.addi %mul3A_2, %add3A_59 : i32
      %dma_start3A_61 = tpu.memref_slice %arg4[%mul3A_58, %add3A_60] : memref<2600x16384xf32, #tpu.memory_space<hbm>> -> memref<200x256xf32, #tpu.memory_space<hbm>>
      %dma_start3A_62 = tpu.memref_slice %arg4[%mul3A_58, %add3A_60] : memref<2600x16384xf32, #tpu.memory_space<hbm>> -> memref<200x256xf32, #tpu.memory_space<hbm>>
      tpu.enqueue_dma source(%arg6 : memref<200x256xf32, #tpu.memory_space<vmem>>) target(%dma_start3A_62 : memref<200x256xf32, #tpu.memory_space<hbm>>) target_semaphore(%arg8 : memref<!tpu.dma_semaphore, #tpu.memory_space<semaphore_mem>>)
      %gt3A_63 = arith.constant 0 : i32
      %gt3A_64 = arith.cmpi sgt, %add3A_44, %gt3A_63 : i32
      %convert_element_type3A_65 = arith.extui %gt3A_64 : i1 to i32
      %cond3A_66 = arith.constant 0 : i32
      %cond3A_67 = arith.cmpi ne, %convert_element_type3A_65, %cond3A_66 : i32
      scf.if %cond3A_67 {
        %sub3A = arith.constant 1 : i32
        %sub3A_84 = arith.subi %add3A_44, %sub3A : i32
        %mul3A_85 = arith.constant 200 : i32
        %mul3A_86 = arith.muli %sub3A_84, %mul3A_85 : i32
        %add3A_87 = arith.constant 256 : i32
        %add3A_88 = arith.addi %mul3A_2, %add3A_87 : i32
        %dma_wait3A_89 = tpu.memref_slice %arg4[%mul3A_86, %add3A_88] : memref<2600x16384xf32, #tpu.memory_space<hbm>> -> memref<200x256xf32, #tpu.memory_space<hbm>>
        %dma_wait3A_90 = tpu.memref_slice %arg4[%mul3A_86, %add3A_88] : memref<2600x16384xf32, #tpu.memory_space<hbm>> -> memref<200x256xf32, #tpu.memory_space<hbm>>
        tpu.wait_dma2 semaphore(%arg9 : memref<!tpu.dma_semaphore, #tpu.memory_space<semaphore_mem>>) src(%arg7 : memref<200x256xf32, #tpu.memory_space<vmem>>) dst(%dma_wait3A_90 : memref<200x256xf32, #tpu.memory_space<hbm>>)
        %sub3A_91 = arith.constant 1 : i32
        %sub3A_92 = arith.subi %add3A_44, %sub3A_91 : i32
        %scan3A_93 = arith.constant 0 : i32
        %scan3A_94 = arith.constant 16 : i32
        %scan3A_95 = arith.addi %scan3A_93, %scan3A_94 : i32
        %scan3A_96 = arith.constant 1 : i32
        scf.for %scan3A_103 = %scan3A_93 to %scan3A_95 step %scan3A_96  : i32 {
          %mul3A_104 = arith.constant 1 : i32
          %mul3A_105 = arith.muli %scan3A_103, %mul3A_104 : i32
          %add3A_106 = arith.constant 0 : i32
          %add3A_107 = arith.addi %add3A_106, %mul3A_105 : i32
          %mul3A_108 = arith.constant 2 : i32
          %mul3A_109 = arith.muli %sub3A_92, %mul3A_108 : i32
          %add3A_110 = arith.constant 0 : i32
          %add3A_111 = arith.addi %mul3A_109, %add3A_110 : i32
          %mul3A_112 = arith.constant 16 : i32
          %mul3A_113 = arith.muli %add3A_107, %mul3A_112 : i32
          %add3A_114 = arith.constant 256 : i32
          %add3A_115 = arith.addi %add3A_114, %mul3A_113 : i32
          %get3A = arith.index_cast %add3A_111 : i32 to index
          %get3A_116 = arith.index_cast %add3A_115 : i32 to index
          %get3A_117 = tpu.vector_load %arg5[%get3A, %get3A_116] {strides = array<i32>} : memref<26x512xi32, #tpu.memory_space<vmem>>, vector<16xi32>,
          %max3A = arith.constant 0 : i32
          %max3A_118 = vector.broadcast %max3A : i32 to vector<16xi32>
          %max3A_119 = arith.maxsi %get3A_117, %max3A_118 : vector<16xi32>
          %min3A = arith.constant 99 : i32
          %min3A_120 = vector.broadcast %min3A : i32 to vector<16xi32>
          %min3A_121 = arith.minsi %max3A_119, %min3A_120 : vector<16xi32>
          %add3A_122 = arith.constant 0 : i32
          %add3A_123 = vector.broadcast %add3A_122 : i32 to vector<16xi32>
          %add3A_124 = arith.addi %add3A_123, %min3A_121 : vector<16xi32>
          %mul3A_125 = arith.constant 16 : i32
          %mul3A_126 = arith.muli %add3A_107, %mul3A_125 : i32
          %add3A_127 = vector.broadcast %mul3A_126 : i32 to vector<16xi32>
          %add3A_128 = arith.addi %iota3A, %add3A_127 : vector<16xi32>
          tpu.vector_store_idx %arg7[%add3A_124, %add3A_128], %broadcast_in_dim3A_23 : memref<200x256xf32, #tpu.memory_space<vmem>>[vector<16xi32>, vector<16xi32>], vector<16xf32>,
        }
        %scan3A_97 = arith.constant 16 : i32
        %scan3A_98 = arith.constant 0 : i32
        %scan3A_99 = arith.constant 16 : i32
        %scan3A_100 = arith.addi %scan3A_98, %scan3A_99 : i32
        %scan3A_101 = arith.constant 1 : i32
        scf.for %scan3A_103 = %scan3A_98 to %scan3A_100 step %scan3A_101  : i32 {
          %mul3A_104 = arith.constant 1 : i32
          %mul3A_105 = arith.muli %scan3A_103, %mul3A_104 : i32
          %add3A_106 = arith.constant 0 : i32
          %add3A_107 = arith.addi %add3A_106, %mul3A_105 : i32
          %mul3A_108 = arith.constant 2 : i32
          %mul3A_109 = arith.muli %sub3A_92, %mul3A_108 : i32
          %add3A_110 = arith.constant 1 : i32
          %add3A_111 = arith.addi %mul3A_109, %add3A_110 : i32
          %mul3A_112 = arith.constant 16 : i32
          %mul3A_113 = arith.muli %add3A_107, %mul3A_112 : i32
          %add3A_114 = arith.constant 256 : i32
          %add3A_115 = arith.addi %add3A_114, %mul3A_113 : i32
          %get3A = arith.index_cast %add3A_111 : i32 to index
          %get3A_116 = arith.index_cast %add3A_115 : i32 to index
          %get3A_117 = tpu.vector_load %arg5[%get3A, %get3A_116] {strides = array<i32>} : memref<26x512xi32, #tpu.memory_space<vmem>>, vector<16xi32>,
          %max3A = arith.constant 0 : i32
          %max3A_118 = vector.broadcast %max3A : i32 to vector<16xi32>
          %max3A_119 = arith.maxsi %get3A_117, %max3A_118 : vector<16xi32>
          %min3A = arith.constant 99 : i32
          %min3A_120 = vector.broadcast %min3A : i32 to vector<16xi32>
          %min3A_121 = arith.minsi %max3A_119, %min3A_120 : vector<16xi32>
          %add3A_122 = arith.constant 100 : i32
          %add3A_123 = vector.broadcast %add3A_122 : i32 to vector<16xi32>
          %add3A_124 = arith.addi %add3A_123, %min3A_121 : vector<16xi32>
          %mul3A_125 = arith.constant 16 : i32
          %mul3A_126 = arith.muli %add3A_107, %mul3A_125 : i32
          %add3A_127 = vector.broadcast %mul3A_126 : i32 to vector<16xi32>
          %add3A_128 = arith.addi %iota3A, %add3A_127 : vector<16xi32>
          tpu.vector_store_idx %arg7[%add3A_124, %add3A_128], %broadcast_in_dim3A_23 : memref<200x256xf32, #tpu.memory_space<vmem>>[vector<16xi32>, vector<16xi32>], vector<16xf32>,
        }
        %scan3A_102 = arith.constant 16 : i32
      } else {
      }
      %scan3A_68 = arith.constant 0 : i32
      %scan3A_69 = arith.constant 16 : i32
      %scan3A_70 = arith.addi %scan3A_68, %scan3A_69 : i32
      %scan3A_71 = arith.constant 1 : i32
      scf.for %scan3A_84 = %scan3A_68 to %scan3A_70 step %scan3A_71  : i32 {
        %mul3A_85 = arith.constant 1 : i32
        %mul3A_86 = arith.muli %scan3A_84, %mul3A_85 : i32
        %add3A_87 = arith.constant 0 : i32
        %add3A_88 = arith.addi %add3A_87, %mul3A_86 : i32
        %mul3A_89 = arith.constant 2 : i32
        %mul3A_90 = arith.muli %add3A_44, %mul3A_89 : i32
        %add3A_91 = arith.constant 0 : i32
        %add3A_92 = arith.addi %mul3A_90, %add3A_91 : i32
        %mul3A_93 = arith.constant 16 : i32
        %mul3A_94 = arith.muli %add3A_88, %mul3A_93 : i32
        %add3A_95 = arith.constant 256 : i32
        %add3A_96 = arith.addi %add3A_95, %mul3A_94 : i32
        %get3A = arith.index_cast %add3A_92 : i32 to index
        %get3A_97 = arith.index_cast %add3A_96 : i32 to index
        %get3A_98 = tpu.vector_load %arg5[%get3A, %get3A_97] {strides = array<i32>} : memref<26x512xi32, #tpu.memory_space<vmem>>, vector<16xi32>,
        %max3A = arith.constant 0 : i32
        %max3A_99 = vector.broadcast %max3A : i32 to vector<16xi32>
        %max3A_100 = arith.maxsi %get3A_98, %max3A_99 : vector<16xi32>
        %min3A = arith.constant 99 : i32
        %min3A_101 = vector.broadcast %min3A : i32 to vector<16xi32>
        %min3A_102 = arith.minsi %max3A_100, %min3A_101 : vector<16xi32>
        %add3A_103 = arith.constant 0 : i32
        %add3A_104 = vector.broadcast %add3A_103 : i32 to vector<16xi32>
        %add3A_105 = arith.addi %add3A_104, %min3A_102 : vector<16xi32>
        %mul3A_106 = arith.constant 16 : i32
        %mul3A_107 = arith.muli %add3A_88, %mul3A_106 : i32
        %add3A_108 = vector.broadcast %mul3A_107 : i32 to vector<16xi32>
        %add3A_109 = arith.addi %iota3A, %add3A_108 : vector<16xi32>
        tpu.vector_store_idx %arg7[%add3A_105, %add3A_109], %broadcast_in_dim3A_21 : memref<200x256xf32, #tpu.memory_space<vmem>>[vector<16xi32>, vector<16xi32>], vector<16xf32>,
      }
      %scan3A_72 = arith.constant 16 : i32
      %scan3A_73 = arith.constant 0 : i32
      %scan3A_74 = arith.constant 16 : i32
      %scan3A_75 = arith.addi %scan3A_73, %scan3A_74 : i32
      %scan3A_76 = arith.constant 1 : i32
      scf.for %scan3A_84 = %scan3A_73 to %scan3A_75 step %scan3A_76  : i32 {
        %mul3A_85 = arith.constant 1 : i32
        %mul3A_86 = arith.muli %scan3A_84, %mul3A_85 : i32
        %add3A_87 = arith.constant 0 : i32
        %add3A_88 = arith.addi %add3A_87, %mul3A_86 : i32
        %mul3A_89 = arith.constant 2 : i32
        %mul3A_90 = arith.muli %add3A_44, %mul3A_89 : i32
        %add3A_91 = arith.constant 1 : i32
        %add3A_92 = arith.addi %mul3A_90, %add3A_91 : i32
        %mul3A_93 = arith.constant 16 : i32
        %mul3A_94 = arith.muli %add3A_88, %mul3A_93 : i32
        %add3A_95 = arith.constant 256 : i32
        %add3A_96 = arith.addi %add3A_95, %mul3A_94 : i32
        %get3A = arith.index_cast %add3A_92 : i32 to index
        %get3A_97 = arith.index_cast %add3A_96 : i32 to index
        %get3A_98 = tpu.vector_load %arg5[%get3A, %get3A_97] {strides = array<i32>} : memref<26x512xi32, #tpu.memory_space<vmem>>, vector<16xi32>,
        %max3A = arith.constant 0 : i32
        %max3A_99 = vector.broadcast %max3A : i32 to vector<16xi32>
        %max3A_100 = arith.maxsi %get3A_98, %max3A_99 : vector<16xi32>
        %min3A = arith.constant 99 : i32
        %min3A_101 = vector.broadcast %min3A : i32 to vector<16xi32>
        %min3A_102 = arith.minsi %max3A_100, %min3A_101 : vector<16xi32>
        %add3A_103 = arith.constant 100 : i32
        %add3A_104 = vector.broadcast %add3A_103 : i32 to vector<16xi32>
        %add3A_105 = arith.addi %add3A_104, %min3A_102 : vector<16xi32>
        %mul3A_106 = arith.constant 16 : i32
        %mul3A_107 = arith.muli %add3A_88, %mul3A_106 : i32
        %add3A_108 = vector.broadcast %mul3A_107 : i32 to vector<16xi32>
        %add3A_109 = arith.addi %iota3A, %add3A_108 : vector<16xi32>
        tpu.vector_store_idx %arg7[%add3A_105, %add3A_109], %broadcast_in_dim3A_21 : memref<200x256xf32, #tpu.memory_space<vmem>>[vector<16xi32>, vector<16xi32>], vector<16xf32>,
      }
      %scan3A_77 = arith.constant 16 : i32
      %mul3A_78 = arith.constant 200 : i32
      %mul3A_79 = arith.muli %add3A_44, %mul3A_78 : i32
      %add3A_80 = arith.constant 256 : i32
      %add3A_81 = arith.addi %mul3A_2, %add3A_80 : i32
      %dma_start3A_82 = tpu.memref_slice %arg4[%mul3A_79, %add3A_81] : memref<2600x16384xf32, #tpu.memory_space<hbm>> -> memref<200x256xf32, #tpu.memory_space<hbm>>
      %dma_start3A_83 = tpu.memref_slice %arg4[%mul3A_79, %add3A_81] : memref<2600x16384xf32, #tpu.memory_space<hbm>> -> memref<200x256xf32, #tpu.memory_space<hbm>>
      tpu.enqueue_dma source(%arg7 : memref<200x256xf32, #tpu.memory_space<vmem>>) target(%dma_start3A_83 : memref<200x256xf32, #tpu.memory_space<hbm>>) target_semaphore(%arg9 : memref<!tpu.dma_semaphore, #tpu.memory_space<semaphore_mem>>)
    }
    %scan3A_27 = arith.constant 13 : i32
    %add3A_28 = arith.constant 0 : i32
    %add3A_29 = arith.addi %mul3A_2, %add3A_28 : i32
    %dma_wait3A_30 = arith.constant 0 : i32
    %dma_wait3A_31 = tpu.memref_slice %arg4[%dma_wait3A_30, %add3A_29] : memref<2600x16384xf32, #tpu.memory_space<hbm>> -> memref<200x256xf32, #tpu.memory_space<hbm>>
    %dma_wait3A_32 = arith.constant 0 : i32
    %dma_wait3A_33 = tpu.memref_slice %arg4[%dma_wait3A_32, %add3A_29] : memref<2600x16384xf32, #tpu.memory_space<hbm>> -> memref<200x256xf32, #tpu.memory_space<hbm>>
    tpu.wait_dma2 semaphore(%arg8 : memref<!tpu.dma_semaphore, #tpu.memory_space<semaphore_mem>>) src(%arg6 : memref<200x256xf32, #tpu.memory_space<vmem>>) dst(%dma_wait3A_33 : memref<200x256xf32, #tpu.memory_space<hbm>>)
    %add3A_34 = arith.constant 256 : i32
    %add3A_35 = arith.addi %mul3A_2, %add3A_34 : i32
    %dma_wait3A_36 = arith.constant 0 : i32
    %dma_wait3A_37 = tpu.memref_slice %arg4[%dma_wait3A_36, %add3A_35] : memref<2600x16384xf32, #tpu.memory_space<hbm>> -> memref<200x256xf32, #tpu.memory_space<hbm>>
    %dma_wait3A_38 = arith.constant 0 : i32
    %dma_wait3A_39 = tpu.memref_slice %arg4[%dma_wait3A_38, %add3A_35] : memref<2600x16384xf32, #tpu.memory_space<hbm>> -> memref<200x256xf32, #tpu.memory_space<hbm>>
    tpu.wait_dma2 semaphore(%arg9 : memref<!tpu.dma_semaphore, #tpu.memory_space<semaphore_mem>>) src(%arg7 : memref<200x256xf32, #tpu.memory_space<vmem>>) dst(%dma_wait3A_39 : memref<200x256xf32, #tpu.memory_space<hbm>>)
    return
  }
}

</mosaic_0001>

<sc_bundles>
// kernel: _run.3.cloned.1.call-start
scs
__scs_entry_jumppad:
0x0: {  	(pc) =	sbr.rel $0x88, $3  }
0x1: {  	(tag) =	ssettag $0x0;
	lr =	simm.s32 $0x1  }
0x2: {  	[smem:$0x3FA0] =	sst lr;
	_ =	strace $0xD0000000  }
0x3: {  	_ = 	snop  }
0x4: {  	_ = 	snop  }
0x5: {  	_ = 	snop  }
0x6: {  	_ = 	snop  }
0x7: {  	_ = 	snop  }
__scs_overlays_trampoline_lowered:
0x8: {  	[smem:$0x3FAF] =	sst s0  }
0x9: {  	[smem:$0x3FB0] =	sst s1  }
0xa: {  	[smem:$0x3FB1] =	sst s2  }
0xb: {  	[smem:$0x3FB2] =	sst s3  }
0xc: {  	[smem:$0x3FB3] =	sst s4  }
0xd: {  	[smem:$0x3FB4] =	sst s5  }
0xe: {  	[smem:$0x3FB5] =	sst s6  }
0xf: {  	[smem:$0x3FB6] =	sst s7  }
0x10: {  	[smem:$0x3FB7] =	sst s8  }
0x11: {  	[smem:$0x3FB8] =	sst s9;
	s0 =	simm.s32 @!p0 $0x0  }
0x12: {  	s1 =	sld [smem:$0x3F9E];
	s0 =	simm.s32 @p0 $0x1  }
0x13: {  	[smem:$0x3FB9] =	sst s0;
	s0 =	simm.s32 @!p1 $0x0  }
0x14: {  	s2 =	sld [smem:$0x3F9D];
	s0 =	simm.s32 @p1 $0x1  }
0x15: {  	[smem:$0x3FBA] =	sst s0;
	s0 =	simm.s32 @!p2 $0x0  }
0x16: {  	s3 =	sld [smem:$0x3FDB];
	s0 =	simm.s32 @p2 $0x1  }
0x17: {  	s4 =	simm.s32 $0x1BF5;
	[smem:$0x3FBC] =	sst s0  }
0x18: {  	s0 =	sld [smem:$0x3F9F];
	_ =	swait.ge [sflag:s4], $0x0  }
0x19: {  	s7 =	sld [smem:$0x3FA0]  }
0x1a: {  	s8 =	sadd.s32 $0xFFFFE003, lr  }
0x1b: {  	s9 =	sadd.s32 $0xFFFFFEF7, lr;
	s5 =	simm.s32 $0xFFFFFFFF;
	p2 =	slt.u32 s8, $0xFFFFF086  }
0x1c: {  	p1 =	slt.u32 s9, $0xF7A;
	s5 =	simm.s32 @!p2 $0x0  }
0x1d: {  	s5 =	simm.s32 @p1 $0x1;
	p0 =	seq.s32 s7, s2  }
0x1e: {  	s7 =	smul.u32 @!p0 $0xF7A, s2;
	p2 =	seq.s32 @!p0 s5, $0x0  }
0x1f: {  	s9 =	smul.u32 $0xF7A, s1;
	s8 =	simm.s32 @!p0 $0x1BF5;
	p2 =	por !p2, p0  }
0x20: {  	[sflag:s8] =	ssyncset.s32 @!p0 $0xFFFFF086;
	s6 =	sadd.s32 @!p0 s3, s7;
	s7 =	simm.s32 @!p0 $0x108  }
0x21: {  	s3 =	sadd.s32 s3, s9;
	s6 =	sadd.s32 @!p0 $0x88, s6;
	s7 =	simm.s32 @p2 $0x1082  }
0x22: {  	[simem:s7], [sflag:s8] =	dma.local @!p0 [hbm:s6], $0xF7A  }
0x23: {  	s9 =	sor.u32 $0xD0000000, s2;
	s6 =	simm.s32 $0x108;
	_ =	swait.ge @!p0 [sflag:s8], $0x0  }
0x24: {  	s3 =	sadd.s32 $0x88, s3;
	s6 =	simm.s32 @!p1 $0x1082;
	[sflag:s4] =	ssyncset.s32 $0xFFFFF086  }
0x25: {  	[simem:s6], [sflag:s4] =	dma.local [hbm:s3], $0xF7A  }
0x26: {  	[smem:$0x3FA0] =	sst s1;
	(tag) =	ssettag s2;
	_ =	strace s9  }
0x27: {  	s1 =	sld [smem:$0x3FB0]  }
0x28: {  	s2 =	sld [smem:$0x3FB1]  }
0x29: {  	s4 =	sld [smem:$0x3FB3]  }
0x2a: {  	p0 =	seq.s32 s5, $0x0;
	s5 =	sld [smem:$0x3FB4]  }
0x2b: {  	s6 =	sld [smem:$0x3FB5]  }
0x2c: {  	s7 =	sld [smem:$0x3FB6]  }
0x2d: {  	s3 =	simm.s32 $0x108;
	s8 =	sld [smem:$0x3FB7]  }
0x2e: {  	s3 =	simm.s32 @!p0 $0x1082;
	s9 =	sld [smem:$0x3FB8]  }
0x2f: {  	lr =	sadd.s32 s0, s3;
	s0 =	sld [smem:$0x3FAF]  }
0x30: {  	s3 =	sld [smem:$0x3FB2]  }
0x31: {  	[smem:$0x3FBB] =	sst s10  }
0x32: {  	s10 =	sld [smem:$0x3FB9];
	_ =	sdelay $0x3  }
0x33: {  	p0 =	seq.s32 s10, $0x1;
	s10 =	sld [smem:$0x3FBB];
	_ =	sdelay $0x3  }
0x34: {  	[smem:$0x3FBB] =	sst s10  }
0x35: {  	s10 =	sld [smem:$0x3FBA];
	_ =	sdelay $0x3  }
0x36: {  	p1 =	seq.s32 s10, $0x1;
	s10 =	sld [smem:$0x3FBB];
	_ =	sdelay $0x3  }
0x37: {  	[smem:$0x3FBB] =	sst s10  }
0x38: {  	s10 =	sld [smem:$0x3FBC]  }
0x39: {  	_ = 	snop;
	(pc) =	sbr.ind lr, $3  }
0x3a: {  	_ = 	snop  }
0x3b: {  	_ = 	snop  }
0x3c: {  	p2 =	seq.s32 s10, $0x1;
	s10 =	sld [smem:$0x3FBB]  }
0x3d: {  	_ =	shalt  }
0x3e: {  	_ =	shalt  }
0x3f: {  	_ =	shalt  }
0x40: {  	_ =	shalt  }
0x41: {  	_ =	shalt  }
0x42: {  	_ =	shalt  }
0x43: {  	_ =	shalt  }
0x44: {  	_ =	shalt  }
0x45: {  	_ =	shalt  }
0x46: {  	_ =	shalt  }
0x47: {  	_ =	shalt  }
0x48: {  	_ =	shalt  }
0x49: {  	_ =	shalt  }
0x4a: {  	_ =	shalt  }
0x4b: {  	_ =	shalt  }
0x4c: {  	_ =	shalt  }
0x4d: {  	_ =	shalt  }
0x4e: {  	_ =	shalt  }
0x4f: {  	_ =	shalt  }
0x50: {  	_ =	shalt  }
0x51: {  	_ =	shalt  }
0x52: {  	_ =	shalt  }
0x53: {  	_ =	shalt  }
0x54: {  	_ =	shalt  }
0x55: {  	_ =	shalt  }
0x56: {  	_ =	shalt  }
0x57: {  	_ =	shalt  }
0x58: {  	_ =	shalt  }
0x59: {  	_ =	shalt  }
0x5a: {  	_ =	shalt  }
0x5b: {  	_ =	shalt  }
0x5c: {  	_ =	shalt  }
0x5d: {  	_ =	shalt  }
0x5e: {  	_ =	shalt  }
0x5f: {  	_ =	shalt  }
0x60: {  	_ =	shalt  }
0x61: {  	_ =	shalt  }
0x62: {  	_ =	shalt  }
0x63: {  	_ =	shalt  }
0x64: {  	_ =	shalt  }
0x65: {  	_ =	shalt  }
0x66: {  	_ =	shalt  }
0x67: {  	_ =	shalt  }
0x68: {  	_ =	shalt  }
0x69: {  	_ =	shalt  }
0x6a: {  	_ =	shalt  }
0x6b: {  	_ =	shalt  }
0x6c: {  	_ =	shalt  }
0x6d: {  	_ =	shalt  }
0x6e: {  	_ =	shalt  }
0x6f: {  	_ =	shalt  }
0x70: {  	_ =	shalt  }
0x71: {  	_ =	shalt  }
0x72: {  	_ =	shalt  }
0x73: {  	_ =	shalt  }
0x74: {  	_ =	shalt  }
0x75: {  	_ =	shalt  }
0x76: {  	_ =	shalt  }
0x77: {  	_ =	shalt  }
0x78: {  	_ =	shalt  }
0x79: {  	_ =	shalt  }
0x7a: {  	_ =	shalt  }
0x7b: {  	_ =	shalt  }
0x7c: {  	_ =	shalt  }
0x7d: {  	_ =	shalt  }
0x7e: {  	_ =	shalt  }
0x7f: {  	_ =	shalt  }
0x80: {  	_ =	shalt  }
0x81: {  	_ =	shalt  }
0x82: {  	_ =	shalt  }
0x83: {  	_ =	shalt  }
0x84: {  	_ =	shalt  }
0x85: {  	_ =	shalt  }
0x86: {  	_ =	shalt  }
0x87: {  	_ =	shalt  }
.Lfunc_end0:
.L_simem_size_0:
called_computation_lowered:
.L_overlay_start_0:
0x88: {  	s2 =	sld [smem:$0x3FD9]  }
0x89: {  	s3 =	sld [smem:$0x3FFE];
	_ =	sdelay $0x1  }
0x8a: {  	s1 =	srdreg.scid  }
0x8b: {  	s0 =	sand.u32 $0x1, s1  }
0x8c: {  	s17 =	sshll.u32 s0, $0xA;
	s2 =	sadd.s32 s3, s2  }
0x8d: {  	s2 =	sadd.s32 s2, s17  }
0x8e: {  	[smem:$0x3FC7] =	sst s2  }
0x8f: {  	_ = 	snop  }
0x90: {  	s2 =	sld [smem:$0x3FC9]  }
0x91: {  	s18 =	sld [smem:$0x3FD0];
	(tm) =	ssettm $0x1  }
0x92: {  	s4 =	sld [smem:$0x3FFB];
	_ =	sdelay $0x3  }
0x93: {  	_ =	strace s4  }
0x94: {  	s4 =	sld [smem:$0x3FFC];
	_ =	sdelay $0x3  }
0x95: {  	_ =	strace s4  }
0x96: {  	s4 =	sld [smem:$0x3FFD];
	_ =	sdelay $0x3  }
0x97: {  	_ =	strace s4  }
0x98: {  	_ =	strace $0x8FFFFFFF  }
0x99: {  	s19 =	sld [smem:$0x3FDB];
	_ =	sdelay $0x1  }
0x9a: {  	s5 =	simm.s32 $_scs_section_size  }
0x9b: {  	s6 =	simm.s32 $_size__tile_overlayer_lowered;
	s7 =	simm.s32 $_tile_overlayer_lowered  }
0x9c: {  	s22 =	simm.s32 $0x1BFF;
	s21 =	sshll.u32 s7, $0x1;
	s4 =	sadd.s32 s5, s19  }
0x9d: {  	s8 =	simm.s32 $0x0;
	s20 =	sshll.u32 s6, $0x1;
	s6 =	sadd.s32 s21, s4  }
0x9e: {  	[timem:s8], [sflag:s22] =	dma.local [hbm:s6], s20  }
0x9f: {  	_ =	swait.ge [sflag:s22], s20  }
0xa0: {  	s5 =	ssub.s32 $0x0, s20;
	[sflag:s22] =	ssyncset.done $0x0  }
0xa1: {  	[sflag:s22] =	ssyncadd.s32 s5;
	_ =	sdelay $0x1  }
0xa2: {  	s23 =	simm.s32 $0x1B8B  }
0xa3: {  	_ =	swait.ge [sflag:s23], $0x1  }
0xa4: {  	[sflag:s23] =	ssyncset.done $0x0  }
0xa5: {  	s25 =	simm.s32 $0x1B8E;
	s24 =	sld [smem:$0x3FFE];
	[sflag:s23] =	ssyncadd.s32 $0xFFFFFFFF  }
0xa6: {  	s26 =	simm.s32 $execute0_lowered;
	[smem:$0x3FD2] =	sst s25  }
0xa7: {  	s6 =	sshll.u32 s26, $0x1;
	_ =	strace $0x80000046;
	[dreg:$0x1] =	wrdreg $0xFFFFFFFF  }
0xa8: {  	s28 =	simm.s32 $_size_execute0_lowered;
	s4 =	sadd.s32 s4, s6;
	[dreg:$0x0] =	wrdreg $0x0  }
0xa9: {  	s6 =	sshll.u32 s28, $0x1;
	[dreg:$0x2] =	wrdreg s4  }
0xaa: {  	[dreg:$0x3] =	wrdreg s6  }
0xab: {  	[dreg:$0x4] =	wrdreg $0xC0  }
0xac: {  	_ =	task [dreg:s8], $0x5FFFF  }
0xad: {  	[dreg:$0x1] =	wrdreg $0xFFFFFFFF  }
0xae: {  	[dreg:$0x0] =	wrdreg $0x60  }
0xaf: {  	[dreg:$0x2] =	wrdreg s2  }
0xb0: {  	[dreg:$0x3] =	wrdreg s24  }
0xb1: {  	[dreg:$0x4] =	wrdreg s18  }
0xb2: {  	[dreg:$0x5] =	wrdreg $0x9  }
0xb3: {  	_ =	task.clear_ibuf [dreg:s8], $0x6FFFF;
	_ =	strace $0x90000046  }
0xb4: {  	s29 =	simm.s32 $0x9;
	_ =	strace $0x80000048  }
0xb5: {  	_ =	swait.ge [sflag:s29], $0x1  }
0xb6: {  	[sflag:s29] =	ssyncadd.s32 $0xFFFFFFFF  }
0xb7: {  	_ =	strace $0x90000048  }
0xb8: {  	_ =	sfence  }
0xb9: {  	s30 =	sld [smem:$0x0];
	_ =	sdelay $0x2  }
0xba: {  	s31 =	sshll.u32 s1, $0xD;
	s1 =	sshrl.u32 s1, $0x2  }
0xbb: {  	s3 =	sand.u32 $0x4000, s31;
	s1 =	sadd.s32 s1, s30  }
0xbc: {  	s0 =	sor.u32 s3, s0;
	s1 =	sshll.u32 s1, $0x11  }
0xbd: {  	s0 =	sor.u32 s1, s0  }
0xbe: {  	s0 =	sadd.s32 $0x8F2B, s0  }
0xbf: {  	[sflag:s0] =	ssyncadd.remote.s32 $0x1  }
0xc0: {  	_ =	sfence.sel $0xFFFF  }
0xc1: {  	[dreg:$0x0] =	wrdreg $0xFFFFFFFF;
	(pc) =	sbr.abs _section_cstart, $3  }
0xc2: {  	[dreg:$0x1] =	wrdreg $0xFFFFFFFF  }
0xc3: {  	_ =	task.clear_ibuf [dreg:s8], $0x2FFFF;
	_ =	strace $0x9FFFFFFF  }
0xc4: {  	(tm) =	ssettm $0x7FFFFFFF  }
0xc5: {  	_ =	shalt  }
tec
execute0_lowered:
.L_overlay_start_1:
0x0: {  	(tag) =	ssettag $0x1  }
0x1: {  	s5 =	rddreg [dreg:$0x0]  }
0x2: {  	s4 =	rddreg [dreg:$0x1]  }
0x3: {  	s1 =	rddreg [dreg:$0x2]  }
0x4: {  	s0 =	rddreg [dreg:$0x3];
	s3 =	simm.s32 $0x0;
	s6 =	srdreg.scid  }
0x5: {  	s2 =	stileid.u32;
	s10 =	simm.s32 $0x20000;
	s11 =	simm.s32 $0x4000  }
0x6: {  	s12 =	simm.s32 $0x10800;
	s13 =	simm.s32 $0x1;
	s14 =	simm.s32 $0x2  }
0x7: {  	s15 =	simm.s32 $0x800;
	s16 =	simm.s32 $0x0;
	s6 =	sand.u32 $0x1, s6  }
0x8: {  	[smem:$0x7FF] =	sst s3;
	s8 =	sshll.u32 s2, $0x9;
	s7 =	ssub.s32 $0x2, s6  }
0x9: {  	s4 =	sadd.s32 $0x400, s4;
	s6 =	sshll.u32 s6, $0xD;
	s9 =	sshrl.u32 s7, $0x1  }
0xa: {  	_ =	strace $0x80000047;
	s6 =	sor.u32 s8, s6;
	s30 =	ssub.s32 s7, s9  }
0xb: {  	s31 =	sshll.u32 s6, $0x3;
	s5 =	sadd.s32 s5, s6;
	s6 =	sadd.s32 s1, s6  }
0xc: {  	v0 =	vlaneseq.u32;
	v1 =	vimm.f32 $1.000000000e+00;
	v2 =	vimm.f32 $0.0e+00;
	s9 =	simm.s32 $0x1000;
	s7 =	sor.u32 $0x800, s31;
	s8 =	smax.u32 s30, $0x1  }
.LBB2_1:
0xd: {  	[tilespmem:s3], [sflag:$0x1] =	stream.strided.gather [hbm4b:s5+s9], $0x4000, s10, s9, $0x38;
	[tilespmem:$0x1D000] =	vst v63  }
0xe: {  	_ = 	snop  }
0xf: {  	[tilespmem:s11], [sflag:$0x2] =	stream.linear.gather [hbm4b:s4+s3], $0xC800, $0x38;
	[tilespmem:$0x1D000] =	vst v63  }
0x10: {  	_ = 	snop  }
0x11: {  	[tilespmem:s12], [sflag:$0x2] =	stream.linear.gather [hbm4b:s4+s3], $0xC800, $0x38;
	[tilespmem:$0x1D000] =	vst v63  }
0x12: {  	_ =	swait.ge [sflag:s13], $0x4000  }
0x13: {  	[sflag:s13] =	ssyncset.done $0x0  }
0x14: {  	[sflag:s13] =	ssyncadd.s32 $0xFFFFC000  }
0x15: {  	_ =	swait.ge [sflag:s14], $0xC800  }
0x16: {  	[sflag:s14] =	ssyncset.done $0x0  }
0x17: {  	[sflag:s14] =	ssyncadd.s32 $0xFFFF3800  }
0x18: {  	_ =	swait.ge [sflag:s14], $0xC800  }
0x19: {  	[sflag:s14] =	ssyncset.done $0x0  }
0x1a: {  	s17 =	simm.s32 $0x0;
	[sflag:s14] =	ssyncadd.s32 $0xFFFF3800  }
.LBB2_2:
0x1b: {  	p0 =	seq.s32 s17, $0x0  }
.Ltmp0:
0x1c: {  	_ = 	snop;
	(pc) =	sbr.rel @p0 .LBB2_8-.Ltmp0, $1  }
0x1d: {  	_ =	sdelay $0x3  }
0x1e: {  	s18 =	sadd.s32 $0xFFFFFFFF, s17  }
0x1f: {  	s19 =	sshll.u32 s18, $0x8;
	s18 =	sshll.u32 s18, $0xA  }
0x20: {  	s21 =	simm.s32 $0x0;
	s19 =	sand.u32 $0x300, s19;
	s18 =	sand.u32 $0x7FFFF000, s18  }
0x21: {  	_ =	swait.ge [sflag:s13], $0xC800;
	s31 =	sand.u32 $0x400, s21;
	s18 =	sor.u32 s19, s18  }
0x22: {  	[sflag:s13] =	ssyncset.done $0x0;
	s20 =	sand.u32 $0x70, s21;
	s19 =	sadd.s32 s31, s18  }
0x23: {  	[sflag:s13] =	ssyncadd.s32 $0xFFFF3800;
	s20 =	sadd.s32 s20, s19  }
0x24: {  	v3 =	vld [tilespmem:s20+$0x0];
	_ =	sdelay $0x4  }
0x25: {  	vm0 =	vgt.s32 v3, $0x0  }
0x26: {  	v4 =	vmov s21;
	v3 =	vnsel vm0, $0x0, v3  }
0x27: {  	v5 =	vor.u32 s21, v0;
	v4 =	vshll.u32 v4, $0x3;
	v3 =	vmin.u32 v3, $0x63  }
0x28: {  	v5 =	vand.u32 $0x7F, v5;
	v4 =	vand.u32 $0x400, v4;
	v6 =	vshll.u32 v3, $0x8  }
0x29: {  	v7 =	vshll.u32 v3, $0x7;
	v3 =	vor.u32 v4, v5;
	v6 =	vand.u32 $0x7800, v6  }
0x2a: {  	v4 =	vand.u32 $0x380, v7;
	v5 =	vor.u32 v6, v3  }
0x2b: {  	v4 =	vor.u32 v4, v5;
	_ =	sdelay $0x1  }
0x2c: {  	s22 =	simm.s32 $0x80;
	s23 =	simm.s32 $0x20  }
0x2d: {  	s24 =	sand.u32 $0x400, s22;
	s21 =	simm.s32 $0x10;
	s19 =	simm.s32 $0x10  }
.LBB2_4:
0x2e: {  	p1 =	sne.s32 s23, $0xF0;
	s25 =	sand.u32 $0x70, s21;
	s24 =	sadd.s32 s24, s18  }
0x2f: {  	s24 =	sadd.s32 s25, s24;
	[tilespmem:v4+s11+$0x0] =	vst.idx.msk $0xffff, v2  }
0x30: {  	v4 =	vld [tilespmem:s24+$0x0];
	_ =	sdelay $0x4  }
0x31: {  	vm0 =	vgt.s32 v4, $0x0  }
0x32: {  	v5 =	vmov s21;
	v4 =	vnsel vm0, $0x0, v4  }
0x33: {  	v6 =	vor.u32 s21, v0;
	s21 =	smov.u32 s23;
	v5 =	vshll.u32 v5, $0x3;
	v4 =	vmin.u32 v4, $0x63  }
0x34: {  	v6 =	vand.u32 $0x7F, v6;
	v5 =	vand.u32 $0x400, v5;
	v7 =	vshll.u32 v4, $0x8  }
0x35: {  	v5 =	vor.u32 v5, v6;
	v4 =	vshll.u32 v4, $0x7;
	v7 =	vand.u32 $0x7800, v7  }
.Ltmp1:
0x36: {  	v4 =	vand.u32 $0x380, v4;
	v5 =	vor.u32 v7, v5;
	(pc) =	sbr.rel @p1 .LBB2_4-.Ltmp1, $3  }
0x37: {  	v4 =	vor.u32 v4, v5;
	_ =	sdelay $0x1  }
0x38: {  	s22 =	sadd.s32 $0x80, s22  }
0x39: {  	s23 =	sadd.s32 $0x10, s23;
	s24 =	sand.u32 $0x400, s22  }
0x3a: {  	_ =	sdelay $0x2  }
0x3b: {  	s22 =	sand.u32 $0x70, s21;
	s23 =	sadd.s32 s24, s18  }
0x3c: {  	[tilespmem:v4+s11+$0x0] =	vst.idx.msk $0xffff, v2;
	s22 =	sadd.s32 s22, s23  }
0x3d: {  	v4 =	vld [tilespmem:s22+$0x0];
	_ =	sdelay $0x4  }
0x3e: {  	vm0 =	vgt.s32 v4, $0x0  }
0x3f: {  	v5 =	vmov s21;
	v4 =	vnsel vm0, $0x0, v4  }
0x40: {  	v6 =	vor.u32 s21, v0;
	v5 =	vshll.u32 v5, $0x3;
	v4 =	vmin.u32 v4, $0x63  }
0x41: {  	v6 =	vand.u32 $0x7F, v6;
	v5 =	vand.u32 $0x400, v5;
	v7 =	vshll.u32 v4, $0x8  }
0x42: {  	v5 =	vor.u32 v5, v6;
	v4 =	vshll.u32 v4, $0x7;
	v7 =	vand.u32 $0x7800, v7  }
0x43: {  	v4 =	vand.u32 $0x380, v4;
	v5 =	vor.u32 v7, v5  }
0x44: {  	v4 =	vor.u32 v4, v5;
	_ =	sdelay $0x4  }
0x45: {  	[tilespmem:v4+s11+$0x0] =	vst.idx.msk $0xffff, v2  }
0x46: {  	v4 =	vld [tilespmem:s20+$0x80];
	_ =	sdelay $0x4  }
0x47: {  	vm15 =	vgt.s32 v4, $0x0  }
0x48: {  	v4 =	vnsel vm15, $0x0, v4  }
0x49: {  	v4 =	vmin.u32 v4, $0x63  }
0x4a: {  	v4 =	vadd.s32 $0x64, v4  }
0x4b: {  	v5 =	vshll.u32 v4, $0x8  }
0x4c: {  	v4 =	vshll.u32 v4, $0x7;
	v5 =	vand.u32 $0xF800, v5  }
0x4d: {  	v4 =	vand.u32 $0x380, v4;
	v3 =	vor.u32 v5, v3  }
0x4e: {  	v3 =	vor.u32 v4, v3;
	_ =	sdelay $0x1  }
0x4f: {  	s20 =	simm.s32 $0x80  }
0x50: {  	s21 =	simm.s32 $0x20;
	s22 =	sand.u32 $0x400, s20  }
.LBB2_6:
0x51: {  	p1 =	sne.s32 s21, $0xF0;
	s23 =	sand.u32 $0x70, s19;
	s22 =	sadd.s32 s22, s18  }
0x52: {  	s22 =	sadd.s32 s23, s22;
	[tilespmem:v3+s11+$0x0] =	vst.idx.msk $0xffff, v2  }
0x53: {  	v3 =	vld [tilespmem:s22+$0x80];
	_ =	sdelay $0x4  }
0x54: {  	vm0 =	vgt.s32 v3, $0x0  }
0x55: {  	v3 =	vnsel vm0, $0x0, v3  }
0x56: {  	v4 =	vmov s19;
	v3 =	vmin.u32 v3, $0x63  }
0x57: {  	v5 =	vor.u32 s19, v0;
	s19 =	smov.u32 s21;
	v4 =	vshll.u32 v4, $0x3;
	v3 =	vadd.s32 $0x64, v3  }
0x58: {  	v5 =	vand.u32 $0x7F, v5;
	v4 =	vand.u32 $0x400, v4;
	v6 =	vshll.u32 v3, $0x8  }
0x59: {  	v4 =	vor.u32 v4, v5;
	v3 =	vshll.u32 v3, $0x7;
	v6 =	vand.u32 $0xF800, v6  }
.Ltmp2:
0x5a: {  	v3 =	vand.u32 $0x380, v3;
	v4 =	vor.u32 v6, v4;
	(pc) =	sbr.rel @p1 .LBB2_6-.Ltmp2, $3  }
0x5b: {  	v3 =	vor.u32 v3, v4;
	_ =	sdelay $0x1  }
0x5c: {  	s20 =	sadd.s32 $0x80, s20  }
0x5d: {  	s21 =	sadd.s32 $0x10, s21;
	s22 =	sand.u32 $0x400, s20  }
0x5e: {  	_ =	sdelay $0x2  }
0x5f: {  	s20 =	sand.u32 $0x70, s19;
	s18 =	sadd.s32 s22, s18  }
0x60: {  	[tilespmem:v3+s11+$0x0] =	vst.idx.msk $0xffff, v2;
	s18 =	sadd.s32 s20, s18  }
0x61: {  	v3 =	vld [tilespmem:s18+$0x80];
	_ =	sdelay $0x4  }
0x62: {  	vm0 =	vgt.s32 v3, $0x0  }
0x63: {  	v3 =	vnsel vm0, $0x0, v3  }
0x64: {  	v4 =	vmov s19;
	v3 =	vmin.u32 v3, $0x63  }
0x65: {  	v5 =	vor.u32 s19, v0;
	v4 =	vshll.u32 v4, $0x3;
	v3 =	vadd.s32 $0x64, v3  }
0x66: {  	v5 =	vand.u32 $0x7F, v5;
	v4 =	vand.u32 $0x400, v4;
	v6 =	vshll.u32 v3, $0x8  }
0x67: {  	v4 =	vor.u32 v4, v5;
	v3 =	vshll.u32 v3, $0x7;
	v6 =	vand.u32 $0xF800, v6  }
0x68: {  	v3 =	vand.u32 $0x380, v3;
	v4 =	vor.u32 v6, v4  }
0x69: {  	v3 =	vor.u32 v3, v4;
	_ =	sdelay $0x4  }
0x6a: {  	[tilespmem:v3+s11+$0x0] =	vst.idx.msk $0xffff, v2  }
.LBB2_8:
0x6b: {  	s18 =	sshll.u32 s17, $0x8;
	s19 =	sshll.u32 s17, $0xA  }
0x6c: {  	s21 =	simm.s32 $0x0;
	s18 =	sand.u32 $0x300, s18;
	s19 =	sand.u32 $0x3000, s19  }
0x6d: {  	s22 =	sand.u32 $0x400, s21;
	s20 =	sor.u32 s18, s19  }
0x6e: {  	s23 =	sand.u32 $0x70, s21;
	s22 =	sadd.s32 s22, s20  }
0x6f: {  	s22 =	sadd.s32 s23, s22  }
0x70: {  	v3 =	vld [tilespmem:s22+$0x0];
	_ =	sdelay $0x4  }
0x71: {  	vm0 =	vgt.s32 v3, $0x0  }
0x72: {  	v4 =	vmov s21;
	v3 =	vnsel vm0, $0x0, v3  }
0x73: {  	v5 =	vor.u32 s21, v0;
	v4 =	vshll.u32 v4, $0x3;
	v3 =	vmin.u32 v3, $0x63  }
0x74: {  	v5 =	vand.u32 $0x7F, v5;
	v4 =	vand.u32 $0x400, v4;
	v6 =	vshll.u32 v3, $0x8  }
0x75: {  	v7 =	vshll.u32 v3, $0x7;
	v3 =	vor.u32 v4, v5;
	v6 =	vand.u32 $0x7800, v6  }
0x76: {  	v4 =	vand.u32 $0x380, v7;
	v5 =	vor.u32 v6, v3  }
0x77: {  	v4 =	vor.u32 v4, v5;
	_ =	sdelay $0x1  }
0x78: {  	s24 =	simm.s32 $0x80;
	s25 =	simm.s32 $0x20  }
0x79: {  	s21 =	simm.s32 $0x10;
	s26 =	sand.u32 $0x400, s24;
	s23 =	simm.s32 $0x10  }
.LBB2_9:
0x7a: {  	p1 =	sne.s32 s25, $0xF0;
	s28 =	sand.u32 $0x70, s23;
	s26 =	sadd.s32 s26, s20  }
0x7b: {  	s26 =	sadd.s32 s28, s26;
	[tilespmem:v4+s11+$0x0] =	vst.idx.msk $0xffff, v1  }
0x7c: {  	v4 =	vld [tilespmem:s26+$0x0];
	_ =	sdelay $0x4  }
0x7d: {  	vm0 =	vgt.s32 v4, $0x0  }
0x7e: {  	v5 =	vmov s23;
	v4 =	vnsel vm0, $0x0, v4  }
0x7f: {  	v6 =	vor.u32 s23, v0;
	s23 =	smov.u32 s25;
	v5 =	vshll.u32 v5, $0x3;
	v4 =	vmin.u32 v4, $0x63  }
0x80: {  	v6 =	vand.u32 $0x7F, v6;
	v5 =	vand.u32 $0x400, v5;
	v7 =	vshll.u32 v4, $0x8  }
0x81: {  	v5 =	vor.u32 v5, v6;
	v4 =	vshll.u32 v4, $0x7;
	v7 =	vand.u32 $0x7800, v7  }
.Ltmp3:
0x82: {  	v4 =	vand.u32 $0x380, v4;
	v5 =	vor.u32 v7, v5;
	(pc) =	sbr.rel @p1 .LBB2_9-.Ltmp3, $3  }
0x83: {  	v4 =	vor.u32 v4, v5;
	_ =	sdelay $0x1  }
0x84: {  	s24 =	sadd.s32 $0x80, s24  }
0x85: {  	s25 =	sadd.s32 $0x10, s25;
	s26 =	sand.u32 $0x400, s24  }
0x86: {  	_ =	sdelay $0x2  }
0x87: {  	s24 =	sand.u32 $0x70, s23;
	s25 =	sadd.s32 s26, s20  }
0x88: {  	[tilespmem:v4+s11+$0x0] =	vst.idx.msk $0xffff, v1;
	s24 =	sadd.s32 s24, s25  }
0x89: {  	v4 =	vld [tilespmem:s24+$0x0];
	_ =	sdelay $0x4  }
0x8a: {  	vm0 =	vgt.s32 v4, $0x0  }
0x8b: {  	v5 =	vmov s23;
	v4 =	vnsel vm0, $0x0, v4  }
0x8c: {  	v6 =	vor.u32 s23, v0;
	v5 =	vshll.u32 v5, $0x3;
	v4 =	vmin.u32 v4, $0x63  }
0x8d: {  	v6 =	vand.u32 $0x7F, v6;
	v5 =	vand.u32 $0x400, v5;
	v7 =	vshll.u32 v4, $0x8  }
0x8e: {  	v5 =	vor.u32 v5, v6;
	v4 =	vshll.u32 v4, $0x7;
	v7 =	vand.u32 $0x7800, v7  }
0x8f: {  	v4 =	vand.u32 $0x380, v4;
	v5 =	vor.u32 v7, v5  }
0x90: {  	v4 =	vor.u32 v4, v5;
	_ =	sdelay $0x4  }
0x91: {  	[tilespmem:v4+s11+$0x0] =	vst.idx.msk $0xffff, v1  }
0x92: {  	v4 =	vld [tilespmem:s22+$0x80];
	_ =	sdelay $0x4  }
0x93: {  	vm15 =	vgt.s32 v4, $0x0  }
0x94: {  	v4 =	vnsel vm15, $0x0, v4  }
0x95: {  	v4 =	vmin.u32 v4, $0x63  }
0x96: {  	v4 =	vadd.s32 $0x64, v4  }
0x97: {  	v5 =	vshll.u32 v4, $0x8  }
0x98: {  	v4 =	vshll.u32 v4, $0x7;
	v5 =	vand.u32 $0xF800, v5  }
0x99: {  	v4 =	vand.u32 $0x380, v4;
	v3 =	vor.u32 v5, v3  }
0x9a: {  	v3 =	vor.u32 v4, v3;
	_ =	sdelay $0x1  }
0x9b: {  	s22 =	simm.s32 $0x80  }
0x9c: {  	s23 =	simm.s32 $0x20;
	s24 =	sand.u32 $0x400, s22  }
.LBB2_11:
0x9d: {  	p1 =	sne.s32 s23, $0xF0;
	s25 =	sand.u32 $0x70, s21;
	s24 =	sadd.s32 s24, s20  }
0x9e: {  	s24 =	sadd.s32 s25, s24;
	[tilespmem:v3+s11+$0x0] =	vst.idx.msk $0xffff, v1  }
0x9f: {  	v3 =	vld [tilespmem:s24+$0x80];
	_ =	sdelay $0x4  }
0xa0: {  	vm0 =	vgt.s32 v3, $0x0  }
0xa1: {  	v3 =	vnsel vm0, $0x0, v3  }
0xa2: {  	v4 =	vmov s21;
	v3 =	vmin.u32 v3, $0x63  }
0xa3: {  	v5 =	vor.u32 s21, v0;
	s21 =	smov.u32 s23;
	v4 =	vshll.u32 v4, $0x3;
	v3 =	vadd.s32 $0x64, v3  }
0xa4: {  	v5 =	vand.u32 $0x7F, v5;
	v4 =	vand.u32 $0x400, v4;
	v6 =	vshll.u32 v3, $0x8  }
0xa5: {  	v4 =	vor.u32 v4, v5;
	v3 =	vshll.u32 v3, $0x7;
	v6 =	vand.u32 $0xF800, v6  }
.Ltmp4:
0xa6: {  	v3 =	vand.u32 $0x380, v3;
	v4 =	vor.u32 v6, v4;
	(pc) =	sbr.rel @p1 .LBB2_11-.Ltmp4, $3  }
0xa7: {  	v3 =	vor.u32 v3, v4;
	_ =	sdelay $0x1  }
0xa8: {  	s22 =	sadd.s32 $0x80, s22  }
0xa9: {  	s23 =	sadd.s32 $0x10, s23;
	s24 =	sand.u32 $0x400, s22  }
0xaa: {  	_ =	sdelay $0x2  }
0xab: {  	s22 =	sand.u32 $0x70, s21;
	s20 =	sadd.s32 s24, s20  }
0xac: {  	[tilespmem:v3+s11+$0x0] =	vst.idx.msk $0xffff, v1;
	s20 =	sadd.s32 s22, s20  }
0xad: {  	v3 =	vld [tilespmem:s20+$0x80];
	_ =	sdelay $0x4  }
0xae: {  	vm0 =	vgt.s32 v3, $0x0  }
0xaf: {  	v3 =	vnsel vm0, $0x0, v3  }
0xb0: {  	v4 =	vmov s21;
	v3 =	vmin.u32 v3, $0x63  }
0xb1: {  	v5 =	vor.u32 s21, v0;
	v4 =	vshll.u32 v4, $0x3;
	v3 =	vadd.s32 $0x64, v3  }
0xb2: {  	v5 =	vand.u32 $0x7F, v5;
	v4 =	vand.u32 $0x400, v4;
	v6 =	vshll.u32 v3, $0x8  }
0xb3: {  	v4 =	vor.u32 v4, v5;
	v3 =	vshll.u32 v3, $0x7;
	v6 =	vand.u32 $0xF800, v6  }
0xb4: {  	v3 =	vand.u32 $0x380, v3;
	v4 =	vor.u32 v6, v4  }
0xb5: {  	v3 =	vor.u32 v3, v4  }
0xb6: {  	s20 =	smul.u32 $0x320000, s17  }
.Ltmp5:
0xb7: {  	_ = 	snop;
	(pc) =	sbr.rel @p0 .LBB2_18-.Ltmp5, $4  }
0xb8: {  	_ = 	snop  }
0xb9: {  	s31 =	sshrl.u32 s20, $0x3  }
0xba: {  	s21 =	sadd.s32 s31, s6;
	[tilespmem:v3+s11+$0x0] =	vst.idx.msk $0xffff, v1  }
0xbb: {  	[hbm4b:s21+s15] =	stream.strided.scatter [tilespmem:s11], [sflag:$0x1], $0xC800, s10, s15, $0x38;
	[tilespmem:$0x1D000] =	vst v63  }
0xbc: {  	s21 =	sadd.s32 $0xFFFFFFFF, s17  }
0xbd: {  	s23 =	simm.s32 $0x0;
	s22 =	sshll.u32 s21, $0xA  }
0xbe: {  	s24 =	sshll.u32 s21, $0x8;
	s25 =	sand.u32 $0x400, s23;
	s21 =	sand.u32 $0x7FFFF000, s22  }
0xbf: {  	_ =	swait.ge [sflag:s14], $0xC800;
	s22 =	sand.u32 $0x300, s24;
	s30 =	sadd.s32 s25, s21  }
0xc0: {  	[sflag:s14] =	ssyncset.done $0x0;
	s31 =	sand.u32 $0x70, s23;
	s24 =	sadd.s32 s22, s30  }
0xc1: {  	[sflag:s14] =	ssyncadd.s32 $0xFFFF3800;
	s24 =	sadd.s32 s31, s24  }
0xc2: {  	v3 =	vld [tilespmem:s24+$0x800];
	_ =	sdelay $0x4  }
0xc3: {  	vm0 =	vgt.s32 v3, $0x0  }
0xc4: {  	v4 =	vmov s23;
	v3 =	vnsel vm0, $0x0, v3  }
0xc5: {  	v5 =	vor.u32 s23, v0;
	v4 =	vshll.u32 v4, $0x3;
	v3 =	vmin.u32 v3, $0x63  }
0xc6: {  	v5 =	vand.u32 $0x7F, v5;
	v4 =	vand.u32 $0x400, v4;
	v6 =	vshll.u32 v3, $0x8  }
0xc7: {  	v7 =	vshll.u32 v3, $0x7;
	v3 =	vor.u32 v4, v5;
	v6 =	vand.u32 $0x7800, v6  }
0xc8: {  	v4 =	vand.u32 $0x380, v7;
	v5 =	vor.u32 v6, v3  }
0xc9: {  	v4 =	vor.u32 v4, v5  }
0xca: {  	s26 =	simm.s32 $0x80;
	s28 =	simm.s32 $0x20  }
0xcb: {  	s23 =	simm.s32 $0x10;
	s29 =	sand.u32 $0x400, s26;
	s25 =	simm.s32 $0x10  }
.LBB2_14:
0xcc: {  	p0 =	sne.s32 s28, $0xF0;
	s29 =	sadd.s32 s29, s21  }
0xcd: {  	s30 =	sand.u32 $0x70, s25;
	s29 =	sadd.s32 s22, s29  }
0xce: {  	s29 =	sadd.s32 s30, s29;
	[tilespmem:v4+s12+$0x0] =	vst.idx.msk $0xffff, v2  }
0xcf: {  	v4 =	vld [tilespmem:s29+$0x800];
	_ =	sdelay $0x4  }
0xd0: {  	vm0 =	vgt.s32 v4, $0x0  }
0xd1: {  	v5 =	vmov s25;
	v4 =	vnsel vm0, $0x0, v4  }
0xd2: {  	v6 =	vor.u32 s25, v0;
	s25 =	smov.u32 s28;
	v5 =	vshll.u32 v5, $0x3;
	v4 =	vmin.u32 v4, $0x63  }
0xd3: {  	v6 =	vand.u32 $0x7F, v6;
	v5 =	vand.u32 $0x400, v5;
	v7 =	vshll.u32 v4, $0x8  }
.Ltmp6:
0xd4: {  	v5 =	vor.u32 v5, v6;
	v4 =	vshll.u32 v4, $0x7;
	v7 =	vand.u32 $0x7800, v7;
	(pc) =	sbr.rel @p0 .LBB2_14-.Ltmp6, $4  }
0xd5: {  	v4 =	vand.u32 $0x380, v4;
	v5 =	vor.u32 v7, v5  }
0xd6: {  	v4 =	vor.u32 v4, v5  }
0xd7: {  	s26 =	sadd.s32 $0x80, s26  }
0xd8: {  	s28 =	sadd.s32 $0x10, s28;
	s29 =	sand.u32 $0x400, s26  }
0xd9: {  	_ =	sdelay $0x1  }
0xda: {  	s26 =	sadd.s32 s29, s21  }
0xdb: {  	s28 =	sand.u32 $0x70, s25;
	s26 =	sadd.s32 s22, s26  }
0xdc: {  	[tilespmem:v4+s12+$0x0] =	vst.idx.msk $0xffff, v2;
	s26 =	sadd.s32 s28, s26  }
0xdd: {  	v4 =	vld [tilespmem:s26+$0x800];
	_ =	sdelay $0x4  }
0xde: {  	vm0 =	vgt.s32 v4, $0x0  }
0xdf: {  	v5 =	vmov s25;
	v4 =	vnsel vm0, $0x0, v4  }
0xe0: {  	v6 =	vor.u32 s25, v0;
	v5 =	vshll.u32 v5, $0x3;
	v4 =	vmin.u32 v4, $0x63  }
0xe1: {  	v6 =	vand.u32 $0x7F, v6;
	v5 =	vand.u32 $0x400, v5;
	v7 =	vshll.u32 v4, $0x8  }
0xe2: {  	v5 =	vor.u32 v5, v6;
	v4 =	vshll.u32 v4, $0x7;
	v7 =	vand.u32 $0x7800, v7  }
0xe3: {  	v4 =	vand.u32 $0x380, v4;
	v5 =	vor.u32 v7, v5  }
0xe4: {  	v4 =	vor.u32 v4, v5;
	_ =	sdelay $0x4  }
0xe5: {  	[tilespmem:v4+s12+$0x0] =	vst.idx.msk $0xffff, v2  }
0xe6: {  	v4 =	vld [tilespmem:s24+$0x880];
	_ =	sdelay $0x4  }
0xe7: {  	vm15 =	vgt.s32 v4, $0x0  }
0xe8: {  	v4 =	vnsel vm15, $0x0, v4  }
0xe9: {  	v4 =	vmin.u32 v4, $0x63  }
0xea: {  	v4 =	vadd.s32 $0x64, v4  }
0xeb: {  	v5 =	vshll.u32 v4, $0x8  }
0xec: {  	v4 =	vshll.u32 v4, $0x7;
	v5 =	vand.u32 $0xF800, v5  }
0xed: {  	v4 =	vand.u32 $0x380, v4;
	v3 =	vor.u32 v5, v3  }
0xee: {  	v3 =	vor.u32 v4, v3  }
0xef: {  	s24 =	simm.s32 $0x80  }
0xf0: {  	s25 =	simm.s32 $0x20;
	s26 =	sand.u32 $0x400, s24  }
.LBB2_16:
0xf1: {  	p0 =	sne.s32 s25, $0xF0;
	s26 =	sadd.s32 s26, s21  }
0xf2: {  	s28 =	sand.u32 $0x70, s23;
	s26 =	sadd.s32 s22, s26  }
0xf3: {  	s26 =	sadd.s32 s28, s26;
	[tilespmem:v3+s12+$0x0] =	vst.idx.msk $0xffff, v2  }
0xf4: {  	v3 =	vld [tilespmem:s26+$0x880];
	_ =	sdelay $0x4  }
0xf5: {  	vm0 =	vgt.s32 v3, $0x0  }
0xf6: {  	v3 =	vnsel vm0, $0x0, v3  }
0xf7: {  	v4 =	vmov s23;
	v3 =	vmin.u32 v3, $0x63  }
0xf8: {  	v5 =	vor.u32 s23, v0;
	s23 =	smov.u32 s25;
	v4 =	vshll.u32 v4, $0x3;
	v3 =	vadd.s32 $0x64, v3  }
0xf9: {  	v5 =	vand.u32 $0x7F, v5;
	v4 =	vand.u32 $0x400, v4;
	v6 =	vshll.u32 v3, $0x8  }
.Ltmp7:
0xfa: {  	v4 =	vor.u32 v4, v5;
	v3 =	vshll.u32 v3, $0x7;
	v6 =	vand.u32 $0xF800, v6;
	(pc) =	sbr.rel @p0 .LBB2_16-.Ltmp7, $4  }
0xfb: {  	v3 =	vand.u32 $0x380, v3;
	v4 =	vor.u32 v6, v4  }
0xfc: {  	v3 =	vor.u32 v3, v4  }
0xfd: {  	s24 =	sadd.s32 $0x80, s24  }
0xfe: {  	s25 =	sadd.s32 $0x10, s25;
	s26 =	sand.u32 $0x400, s24  }
0xff: {  	_ =	sdelay $0x1  }
0x100: {  	s21 =	sadd.s32 s26, s21  }
0x101: {  	s24 =	sand.u32 $0x70, s23;
	s21 =	sadd.s32 s22, s21  }
0x102: {  	[tilespmem:v3+s12+$0x0] =	vst.idx.msk $0xffff, v2;
	s21 =	sadd.s32 s24, s21  }
0x103: {  	v3 =	vld [tilespmem:s21+$0x880];
	_ =	sdelay $0x4  }
0x104: {  	vm0 =	vgt.s32 v3, $0x0  }
0x105: {  	v3 =	vnsel vm0, $0x0, v3  }
0x106: {  	v4 =	vmov s23;
	v3 =	vmin.u32 v3, $0x63  }
0x107: {  	v5 =	vor.u32 s23, v0;
	v4 =	vshll.u32 v4, $0x3;
	v3 =	vadd.s32 $0x64, v3  }
0x108: {  	v5 =	vand.u32 $0x7F, v5;
	v4 =	vand.u32 $0x400, v4;
	v6 =	vshll.u32 v3, $0x8  }
0x109: {  	v4 =	vor.u32 v4, v5;
	v3 =	vshll.u32 v3, $0x7;
	v6 =	vand.u32 $0xF800, v6  }
0x10a: {  	v3 =	vand.u32 $0x380, v3;
	v4 =	vor.u32 v6, v4  }
0x10b: {  	v3 =	vor.u32 v3, v4;
	_ =	sdelay $0x4  }
0x10c: {  	[tilespmem:v3+s12+$0x0] =	vst.idx.msk $0xffff, v2  }
.LBB2_18:
0x10d: {  	s21 =	simm.s32 $0x0  }
0x10e: {  	s22 =	sand.u32 $0x400, s21  }
0x10f: {  	s22 =	sadd.s32 s22, s19  }
0x110: {  	s23 =	sand.u32 $0x70, s21;
	s22 =	sadd.s32 s18, s22  }
0x111: {  	s22 =	sadd.s32 s23, s22  }
0x112: {  	v3 =	vld [tilespmem:s22+$0x800];
	_ =	sdelay $0x4  }
0x113: {  	vm0 =	vgt.s32 v3, $0x0  }
0x114: {  	v4 =	vmov s21;
	v3 =	vnsel vm0, $0x0, v3  }
0x115: {  	v5 =	vor.u32 s21, v0;
	v4 =	vshll.u32 v4, $0x3;
	v3 =	vmin.u32 v3, $0x63  }
0x116: {  	v5 =	vand.u32 $0x7F, v5;
	v4 =	vand.u32 $0x400, v4;
	v6 =	vshll.u32 v3, $0x8  }
0x117: {  	v7 =	vshll.u32 v3, $0x7;
	v3 =	vor.u32 v4, v5;
	v6 =	vand.u32 $0x7800, v6  }
0x118: {  	v4 =	vand.u32 $0x380, v7;
	v5 =	vor.u32 v6, v3  }
0x119: {  	v4 =	vor.u32 v4, v5  }
0x11a: {  	s24 =	simm.s32 $0x80;
	s25 =	simm.s32 $0x20  }
0x11b: {  	s21 =	simm.s32 $0x10;
	s26 =	sand.u32 $0x400, s24;
	s23 =	simm.s32 $0x10  }
.LBB2_19:
0x11c: {  	p0 =	sne.s32 s25, $0xF0;
	s26 =	sadd.s32 s26, s19  }
0x11d: {  	s28 =	sand.u32 $0x70, s23;
	s26 =	sadd.s32 s18, s26  }
0x11e: {  	s26 =	sadd.s32 s28, s26;
	[tilespmem:v4+s12+$0x0] =	vst.idx.msk $0xffff, v1  }
0x11f: {  	v4 =	vld [tilespmem:s26+$0x800];
	_ =	sdelay $0x4  }
0x120: {  	vm0 =	vgt.s32 v4, $0x0  }
0x121: {  	v5 =	vmov s23;
	v4 =	vnsel vm0, $0x0, v4  }
0x122: {  	v6 =	vor.u32 s23, v0;
	s23 =	smov.u32 s25;
	v5 =	vshll.u32 v5, $0x3;
	v4 =	vmin.u32 v4, $0x63  }
0x123: {  	v6 =	vand.u32 $0x7F, v6;
	v5 =	vand.u32 $0x400, v5;
	v7 =	vshll.u32 v4, $0x8  }
.Ltmp8:
0x124: {  	v5 =	vor.u32 v5, v6;
	v4 =	vshll.u32 v4, $0x7;
	v7 =	vand.u32 $0x7800, v7;
	(pc) =	sbr.rel @p0 .LBB2_19-.Ltmp8, $4  }
0x125: {  	v4 =	vand.u32 $0x380, v4;
	v5 =	vor.u32 v7, v5  }
0x126: {  	v4 =	vor.u32 v4, v5  }
0x127: {  	s24 =	sadd.s32 $0x80, s24  }
0x128: {  	s25 =	sadd.s32 $0x10, s25;
	s26 =	sand.u32 $0x400, s24  }
0x129: {  	_ =	sdelay $0x1  }
0x12a: {  	s24 =	sadd.s32 s26, s19  }
0x12b: {  	s25 =	sand.u32 $0x70, s23;
	s24 =	sadd.s32 s18, s24  }
0x12c: {  	[tilespmem:v4+s12+$0x0] =	vst.idx.msk $0xffff, v1;
	s24 =	sadd.s32 s25, s24  }
0x12d: {  	v4 =	vld [tilespmem:s24+$0x800];
	_ =	sdelay $0x4  }
0x12e: {  	vm0 =	vgt.s32 v4, $0x0  }
0x12f: {  	v5 =	vmov s23;
	v4 =	vnsel vm0, $0x0, v4  }
0x130: {  	v6 =	vor.u32 s23, v0;
	v5 =	vshll.u32 v5, $0x3;
	v4 =	vmin.u32 v4, $0x63  }
0x131: {  	v6 =	vand.u32 $0x7F, v6;
	v5 =	vand.u32 $0x400, v5;
	v7 =	vshll.u32 v4, $0x8  }
0x132: {  	v5 =	vor.u32 v5, v6;
	v4 =	vshll.u32 v4, $0x7;
	v7 =	vand.u32 $0x7800, v7  }
0x133: {  	v4 =	vand.u32 $0x380, v4;
	v5 =	vor.u32 v7, v5  }
0x134: {  	v4 =	vor.u32 v4, v5;
	_ =	sdelay $0x4  }
0x135: {  	[tilespmem:v4+s12+$0x0] =	vst.idx.msk $0xffff, v1  }
0x136: {  	v4 =	vld [tilespmem:s22+$0x880];
	_ =	sdelay $0x4  }
0x137: {  	vm15 =	vgt.s32 v4, $0x0  }
0x138: {  	v4 =	vnsel vm15, $0x0, v4  }
0x139: {  	v4 =	vmin.u32 v4, $0x63  }
0x13a: {  	v4 =	vadd.s32 $0x64, v4  }
0x13b: {  	v5 =	vshll.u32 v4, $0x8  }
0x13c: {  	v4 =	vshll.u32 v4, $0x7;
	v5 =	vand.u32 $0xF800, v5  }
0x13d: {  	v4 =	vand.u32 $0x380, v4;
	v3 =	vor.u32 v5, v3  }
0x13e: {  	v3 =	vor.u32 v4, v3  }
0x13f: {  	s22 =	simm.s32 $0x80  }
0x140: {  	s23 =	simm.s32 $0x20;
	s24 =	sand.u32 $0x400, s22  }
.LBB2_21:
0x141: {  	p0 =	sne.s32 s23, $0xF0;
	s24 =	sadd.s32 s24, s19  }
0x142: {  	s25 =	sand.u32 $0x70, s21;
	s24 =	sadd.s32 s18, s24  }
0x143: {  	s24 =	sadd.s32 s25, s24;
	[tilespmem:v3+s12+$0x0] =	vst.idx.msk $0xffff, v1  }
0x144: {  	v3 =	vld [tilespmem:s24+$0x880];
	_ =	sdelay $0x4  }
0x145: {  	vm0 =	vgt.s32 v3, $0x0  }
0x146: {  	v3 =	vnsel vm0, $0x0, v3  }
0x147: {  	v4 =	vmov s21;
	v3 =	vmin.u32 v3, $0x63  }
0x148: {  	v5 =	vor.u32 s21, v0;
	s21 =	smov.u32 s23;
	v4 =	vshll.u32 v4, $0x3;
	v3 =	vadd.s32 $0x64, v3  }
0x149: {  	v5 =	vand.u32 $0x7F, v5;
	v4 =	vand.u32 $0x400, v4;
	v6 =	vshll.u32 v3, $0x8  }
.Ltmp9:
0x14a: {  	v4 =	vor.u32 v4, v5;
	v3 =	vshll.u32 v3, $0x7;
	v6 =	vand.u32 $0xF800, v6;
	(pc) =	sbr.rel @p0 .LBB2_21-.Ltmp9, $4  }
0x14b: {  	v3 =	vand.u32 $0x380, v3;
	v4 =	vor.u32 v6, v4  }
0x14c: {  	v3 =	vor.u32 v3, v4  }
0x14d: {  	s22 =	sadd.s32 $0x80, s22  }
0x14e: {  	s23 =	sadd.s32 $0x10, s23;
	s24 =	sand.u32 $0x400, s22  }
0x14f: {  	_ =	sdelay $0x1  }
0x150: {  	s19 =	sadd.s32 s24, s19  }
0x151: {  	s22 =	sand.u32 $0x70, s21;
	s18 =	sadd.s32 s18, s19  }
0x152: {  	[tilespmem:v3+s12+$0x0] =	vst.idx.msk $0xffff, v1;
	s18 =	sadd.s32 s22, s18  }
0x153: {  	v3 =	vld [tilespmem:s18+$0x880];
	_ =	sdelay $0x4  }
0x154: {  	vm0 =	vgt.s32 v3, $0x0  }
0x155: {  	v3 =	vnsel vm0, $0x0, v3  }
0x156: {  	v4 =	vmov s21;
	v3 =	vmin.u32 v3, $0x63  }
0x157: {  	v5 =	vor.u32 s21, v0;
	v4 =	vshll.u32 v4, $0x3;
	v3 =	vadd.s32 $0x64, v3  }
0x158: {  	v5 =	vand.u32 $0x7F, v5;
	v4 =	vand.u32 $0x400, v4;
	v6 =	vshll.u32 v3, $0x8  }
0x159: {  	v4 =	vor.u32 v4, v5;
	v3 =	vshll.u32 v3, $0x7;
	v6 =	vand.u32 $0xF800, v6  }
0x15a: {  	v3 =	vand.u32 $0x380, v3;
	v4 =	vor.u32 v6, v4  }
0x15b: {  	s17 =	sadd.s32 $0x1, s17;
	v3 =	vor.u32 v3, v4  }
0x15c: {  	p0 =	sne.s32 s17, $0xD  }
.Ltmp10:
0x15d: {  	_ = 	snop;
	(pc) =	sbr.rel @p0 .LBB2_2-.Ltmp10, $4  }
0x15e: {  	s31 =	sor.u32 s7, s20  }
0x15f: {  	s18 =	sshrl.u32 s31, $0x3  }
0x160: {  	s18 =	sadd.s32 s1, s18;
	[tilespmem:v3+s12+$0x0] =	vst.idx.msk $0xffff, v1  }
0x161: {  	[hbm4b:s18+s15] =	stream.strided.scatter [tilespmem:s12], [sflag:$0x2], $0xC800, s10, s15, $0x38;
	[tilespmem:$0x1D000] =	vst v63  }
0x162: {  	s16 =	sadd.s32 $0x1, s16  }
0x163: {  	_ =	swait.ge [sflag:s13], $0xC800;
	p0 =	sne.s32 s16, s8  }
.Ltmp11:
0x164: {  	[sflag:s13] =	ssyncset.done $0x0;
	(pc) =	sbr.rel @p0 .LBB2_1-.Ltmp11, $4  }
0x165: {  	[sflag:s13] =	ssyncadd.s32 $0xFFFF3800  }
0x166: {  	_ =	swait.ge [sflag:s14], $0xC800  }
0x167: {  	[sflag:s14] =	ssyncset.done $0x0  }
0x168: {  	[sflag:s14] =	ssyncadd.s32 $0xFFFF3800  }
0x169: {  	_ =	sfence.sel $0x180000  }
0x16a: {  	[bflag:$0x0] =	sbarrier.arrive $0xFFFF  }
0x16b: {  	p0 =	sne.s32 s2, $0x0;
	_ =	strace $0x90000047  }
0x16c: {  	s0 =	sadd.s32 @!p0 $0x100000, s0;
	[bflag:$0x2] =	sbarrier.arrive $0xFFFF  }
0x16d: {  	[sflag:s0] =	ssyncadd.tile.s32 @!p0 $0x1;
	_ =	shalt  }
.Lfunc_end2:
_tile_overlayer_lowered:
.L_overlay_start_2:
0x16e: {  	(tag) =	ssettag $0x2  }
0x16f: {  	s0 =	rddreg [dreg:$0x0];
	s2 =	stileid.u32  }
0x170: {  	s1 =	rddreg [dreg:$0x1];
	p0 =	sne.s32 s2, $0x0  }
0x171: {  	s3 =	rddreg [dreg:$0x2];
	[bflag:$0x3] =	sbarrier.arrive $0xFFFF;
	s2 =	simm.s32 @!p0 $0x1C03  }
0x172: {  	[timem:s3], [sflag:s2] =	dma.local @!p0 [hbm:s0], s1  }
0x173: {  	s0 =	simm.s32 @!p0 $0x3  }
0x174: {  	_ =	swait.ge @!p0 [sflag:s0], s1  }
0x175: {  	s1 =	ssub.s32 @!p0 $0x0, s1;
	[sflag:s0] =	ssyncset.done @!p0 $0x0  }
0x176: {  	[sflag:s0] =	ssyncadd.s32 @!p0 s1  }
0x177: {  	[bflag:$0x3] =	sbarrier.arrive $0xFFFF  }
0x178: {  	_ =	shalt  }

</sc_bundles>
